<compile_context>
chip_gen: v7x
topology: tpu7x:2x2x1
jax: 0.10.2.dev20260603
libtpu: 0.0.44.dev20260713+nightly
codegen_flags: <defaults>
</compile_context>

<pallas_src>
import functools

import jax
import jax.numpy as jnp
from jax import lax
from jax.experimental import pallas as pl
from jax.experimental.pallas import tpu as pltpu
from jax.experimental.pallas import tpu_sc as plsc

N_ATOMS = 262144
N_FRAMES = 4096
N_ELEMS = 94
E_PAD = 128
N_BINS = N_FRAMES * E_PAD
NC = 2
NS = 16
CHUNK = N_ATOMS // (NC * NS)
HIST_SLICE = N_BINS // NS
NS_ITERS = 18
NSCAT = 8

_mesh = plsc.VectorSubcoreMesh(core_axis_name="c", subcore_axis_name="s")


def _sc_hist_body(z_hbm, f_hbm, out_hbm, zbuf, fbuf, fill, hist,
                  zsem, fsem, ssem):
    cid = lax.axis_index("c")
    sid = lax.axis_index("s")
    base = cid * (N_ATOMS // NC) + sid * CHUNK

    zcp = pltpu.async_copy(z_hbm.at[pl.ds(base, CHUNK)], zbuf, zsem)
    fcp = pltpu.async_copy(f_hbm.at[pl.ds(base, CHUNK)], fbuf, fsem)

    zero16 = jnp.zeros((16,), jnp.float32)

    def _zfill(j, _):
        for k in range(8):
            fill[pl.ds(j * 128 + k * 16, 16)] = zero16
        return 0

    lax.fori_loop(0, CHUNK // 128, _zfill, 0)
    hist_flat = hist
    for k in range(HIST_SLICE // CHUNK):
        pltpu.sync_copy(fill, hist_flat.at[pl.ds(sid * HIST_SLICE + k * CHUNK, CHUNK)])

    zcp.wait()
    fcp.wait()

    ones16 = jnp.full((16,), 1.0, jnp.float32)

    def _ifill(j, _):
        for k in range(8):
            off = j * 128 + k * 16
            z = zbuf[pl.ds(off, 16)]
            f = fbuf[pl.ds(off, 16)]
            zbuf[pl.ds(off, 16)] = f * E_PAD + z - 1
            fill[pl.ds(off, 16)] = ones16
        return 0

    lax.fori_loop(0, CHUNK // 128, _ifill, 0)

    plsc.subcore_barrier()

    SCAT = CHUNK // NSCAT
    for k in range(NSCAT):
        pltpu.async_copy(
            fill.at[pl.ds(k * SCAT, SCAT)],
            hist_flat.at[zbuf.at[pl.ds(k * SCAT, SCAT)]],
            ssem, add=True)
    for k in range(NSCAT):
        pltpu.make_async_copy(
            fill.at[pl.ds(k * SCAT, SCAT)],
            hist_flat.at[zbuf.at[pl.ds(k * SCAT, SCAT)]],
            ssem).wait()

    plsc.subcore_barrier()

    pltpu.sync_copy(
        hist.at[pl.ds(sid * HIST_SLICE, HIST_SLICE)],
        out_hbm.at[pl.ds(cid * N_BINS + sid * HIST_SLICE, HIST_SLICE)],
    )


_sc_hist = functools.partial(
    pl.kernel,
    out_type=jax.ShapeDtypeStruct((NC * N_BINS,), jnp.float32),
    mesh=_mesh,
    scratch_types=[
        pltpu.VMEM((CHUNK,), jnp.int32),
        pltpu.VMEM((CHUNK,), jnp.int32),
        pltpu.VMEM((CHUNK,), jnp.float32),
        pltpu.VMEM_SHARED((N_BINS,), jnp.float32),
        pltpu.SemaphoreType.DMA,
        pltpu.SemaphoreType.DMA,
        pltpu.SemaphoreType.DMA,
    ],
)(_sc_hist_body)


def _mm(a, b):
    return lax.dot_general(a, b, (((1,), (0,)), ((), ())),
                           preferred_element_type=jnp.float32)


def _fit_body(parts_ref, y_ref, out_ref):
    x = parts_ref[:N_FRAMES] + parts_ref[N_FRAMES:]
    y = y_ref[...]
    G = lax.dot_general(x, x, (((0,), (0,)), ((), ())),
                        preferred_element_type=jnp.float32)
    b = lax.dot_general(x, y, (((0,), (0,)), ((), ())),
                        preferred_element_type=jnp.float32)
    s = jnp.max(jnp.sum(jnp.abs(G), axis=1))
    a = 1.0 / (s * s)
    r2 = lax.broadcasted_iota(jnp.int32, (E_PAD, 2 * E_PAD), 0)
    c2 = lax.broadcasted_iota(jnp.int32, (E_PAD, 2 * E_PAD), 1)
    eye_l = jnp.where(r2 == c2, 1.0, 0.0).astype(jnp.float32)
    m_v = jnp.where(c2 == E_PAD, 1.0, 0.0).astype(jnp.float32)
    sgn = m_v - jnp.where(c2 < E_PAD, 1.0, 0.0).astype(jnp.float32)
    gb = jnp.concatenate(
        [G, jnp.broadcast_to(b, (E_PAD, 1)),
         jnp.zeros((E_PAD, E_PAD - 1), jnp.float32)], axis=1) * a
    C = eye_l + sgn * _mm(G, gb)

    for _ in range(NS_ITERS):
        C = _mm(C[:, :E_PAD], C) + C * m_v
    beta = C[:, E_PAD:E_PAD + 1]
    res = y - _mm(x, beta)
    out_ref[...] = res.reshape(N_FRAMES // E_PAD, E_PAD)


_tc_fit = pl.pallas_call(
    _fit_body,
    out_shape=jax.ShapeDtypeStruct((N_FRAMES // E_PAD, E_PAD), jnp.float32),
    in_specs=[
        pl.BlockSpec(memory_space=pltpu.VMEM),
        pl.BlockSpec(memory_space=pltpu.VMEM),
    ],
    out_specs=pl.BlockSpec(memory_space=pltpu.VMEM),
)


def kernel(energy, Z, frame_ids):
    parts = _sc_hist(Z, frame_ids)
    parts2d = parts.reshape(NC * N_FRAMES, E_PAD)
    out = _tc_fit(parts2d, energy.reshape(N_FRAMES, 1))
    return out.reshape(N_FRAMES)

# --- scband reference (transcript-rebuilt; emitter-appended) ---
"""Pipeline reference for scband-atomic-dress-11579231830273 (READ-ONLY COPY).

The authoritative reference and input builder live on the scoring server;
editing this copy changes nothing except your own understanding.
"""

import jax, jax.numpy as jnp
import numpy as np

N_ATOMS = 262144
N_FRAMES = 4096
N_ELEMS = 94


def setup_inputs(seed: int = 0) -> dict:
    key = jax.random.key(seed)
    k1, k2, k3 = jax.random.split(key, 3)
    # Element numbers Z in [1, N_ELEMS] (randint gives 0..N_ELEMS-1, shift by +1 as in chemistry Z>=1)
    Z = jax.random.randint(k1, (N_ATOMS,), 0, N_ELEMS).astype(jnp.int32) + 1
    # Segment/frame id per atom (sorted, like ind_1[:,0] structure indices)
    frame_ids = jnp.sort(jax.random.randint(k2, (N_ATOMS,), 0, N_FRAMES)).astype(jnp.int32)
    # Per-structure total energy labels
    energy = jax.random.normal(k3, (N_FRAMES,), dtype=jnp.float32) * 10.0
    return {"energy": energy, "Z": Z, "frame_ids": frame_ids}


def reference(energy, Z, frame_ids):
    # Per-frame element-count histogram: x[f, e] = #atoms in frame f with element e+1
    # (equivalent to torch.stack([bincount(frame Z - 1, minlength=N_ELEMS) for frame in frames]))
    x = jnp.zeros((N_FRAMES, N_ELEMS), dtype=jnp.float32).at[frame_ids, Z - 1].add(1.0)
    y = energy
    # Linear least-squares fit: beta = pinv(x^T x) x^T y
    beta = jnp.linalg.pinv(x.T @ x) @ (x.T @ y)
    # Residual error (printed in the torch module)
    error = jnp.matmul(x, beta) - y
    rmse = jnp.sqrt(jnp.mean(error ** 2))
    # Subtract the atomic dress from each frame's energy:
    # frame['labels','energy'] -= sum(beta[Z-1]) over atoms in that frame
    per_atom_dress = beta[Z - 1]
    frame_dress = jax.ops.segment_sum(per_atom_dress, frame_ids, num_segments=N_FRAMES)
    new_energy = y - frame_dress
    # The module returns the updated frames; their mutated state is the dressed energies
    return new_energy

if __name__ == "__main__":
    import jax
    _d = setup_inputs()
    print(jax.jit(kernel)(*tuple(_d.values())))

</pallas_src>

<mosaic_0001>
#map = affine_map<(d0, d1) -> (0)>
module attributes {stable_mosaic.version = 14 : i64} {
  func.func @_sc_hist_body(%arg0: i32, %arg1: i32, %arg2: memref<262144xi32, #tpu.memory_space<hbm>>, %arg3: memref<262144xi32, #tpu.memory_space<hbm>>, %arg4: memref<1048576xf32, #tpu.memory_space<hbm>>, %arg5: memref<8192xi32, #tpu.memory_space<vmem>>, %arg6: memref<8192xi32, #tpu.memory_space<vmem>>, %arg7: memref<8192xf32, #tpu.memory_space<vmem>>, %arg8: memref<524288xf32, #tpu.memory_space<vmem_shared>>, %arg9: memref<!tpu.dma_semaphore, #tpu.memory_space<semaphore_mem>>, %arg10: memref<!tpu.dma_semaphore, #tpu.memory_space<semaphore_mem>>, %arg11: memref<!tpu.dma_semaphore, #tpu.memory_space<semaphore_mem>>) attributes {dimension_semantics = [#tpu.dimension_semantics<core_parallel>, #tpu.dimension_semantics<subcore_parallel>], iteration_bounds = array<i64: 2, 16>, scalar_prefetch = 0 : i64, scratch_operands = 7 : i64, tpu.core_type = #tpu.core_type<sc_vector_subcore>, window_params = [{transform_indices = #map}, {transform_indices = #map}, {transform_indices = #map}]} {
    %mul3A = arith.constant 131072 : i32
    %mul3A_0 = arith.muli %arg0, %mul3A : i32
    %mul3A_1 = arith.constant 8192 : i32
    %mul3A_2 = arith.muli %arg1, %mul3A_1 : i32
    %add3A = arith.addi %mul3A_0, %mul3A_2 : i32
    %dma_start3A = tpu.memref_slice %arg2[%add3A] : memref<262144xi32, #tpu.memory_space<hbm>> -> memref<8192xi32, #tpu.memory_space<hbm>>
    %dma_start3A_3 = tpu.memref_slice %arg2[%add3A] : memref<262144xi32, #tpu.memory_space<hbm>> -> memref<8192xi32, #tpu.memory_space<hbm>>
    tpu.enqueue_dma source(%dma_start3A_3 : memref<8192xi32, #tpu.memory_space<hbm>>) target(%arg5 : memref<8192xi32, #tpu.memory_space<vmem>>) target_semaphore(%arg9 : memref<!tpu.dma_semaphore, #tpu.memory_space<semaphore_mem>>)
    %dma_start3A_4 = tpu.memref_slice %arg3[%add3A] : memref<262144xi32, #tpu.memory_space<hbm>> -> memref<8192xi32, #tpu.memory_space<hbm>>
    %dma_start3A_5 = tpu.memref_slice %arg3[%add3A] : memref<262144xi32, #tpu.memory_space<hbm>> -> memref<8192xi32, #tpu.memory_space<hbm>>
    tpu.enqueue_dma source(%dma_start3A_5 : memref<8192xi32, #tpu.memory_space<hbm>>) target(%arg6 : memref<8192xi32, #tpu.memory_space<vmem>>) target_semaphore(%arg10 : memref<!tpu.dma_semaphore, #tpu.memory_space<semaphore_mem>>)
    %broadcast_in_dim3A = arith.constant 0.000000e+00 : f32
    %broadcast_in_dim3A_6 = vector.broadcast %broadcast_in_dim3A : f32 to vector<16xf32>
    %scan3A = arith.constant 0 : i32
    %scan3A_7 = arith.constant 0 : i32
    %scan3A_8 = arith.constant 64 : i32
    %scan3A_9 = arith.addi %scan3A_7, %scan3A_8 : i32
    %scan3A_10 = arith.constant 1 : i32
    %scan3A_11 = scf.for %scan3A_145 = %scan3A_7 to %scan3A_9 step %scan3A_10 iter_args(%scan3A_146 = %scan3A) -> (i32)  : i32 {
      %mul3A_147 = arith.constant 128 : i32
      %mul3A_148 = arith.muli %scan3A_145, %mul3A_147 : i32
      %add3A_149 = arith.constant 0 : i32
      %add3A_150 = arith.addi %mul3A_148, %add3A_149 : i32
      %swap3A = arith.index_cast %add3A_150 : i32 to index
      %swap3A_151 = tpu.vector_load %arg7[%swap3A] {strides = array<i32>} : memref<8192xf32, #tpu.memory_space<vmem>>, vector<16xf32>,
      %swap3A_152 = vector.shape_cast %swap3A_151 : vector<16xf32> to vector<16xf32>
      %swap3A_153 = vector.shape_cast %broadcast_in_dim3A_6 : vector<16xf32> to vector<16xf32>
      tpu.vector_store %arg7[%swap3A], %swap3A_153 {strides = array<i32>} : memref<8192xf32, #tpu.memory_space<vmem>>, vector<16xf32>,
      %mul3A_154 = arith.constant 128 : i32
      %mul3A_155 = arith.muli %scan3A_145, %mul3A_154 : i32
      %add3A_156 = arith.constant 16 : i32
      %add3A_157 = arith.addi %mul3A_155, %add3A_156 : i32
      %swap3A_158 = arith.index_cast %add3A_157 : i32 to index
      %swap3A_159 = tpu.vector_load %arg7[%swap3A_158] {strides = array<i32>} : memref<8192xf32, #tpu.memory_space<vmem>>, vector<16xf32>,
      %swap3A_160 = vector.shape_cast %swap3A_159 : vector<16xf32> to vector<16xf32>
      %swap3A_161 = vector.shape_cast %broadcast_in_dim3A_6 : vector<16xf32> to vector<16xf32>
      tpu.vector_store %arg7[%swap3A_158], %swap3A_161 {strides = array<i32>} : memref<8192xf32, #tpu.memory_space<vmem>>, vector<16xf32>,
      %mul3A_162 = arith.constant 128 : i32
      %mul3A_163 = arith.muli %scan3A_145, %mul3A_162 : i32
      %add3A_164 = arith.constant 32 : i32
      %add3A_165 = arith.addi %mul3A_163, %add3A_164 : i32
      %swap3A_166 = arith.index_cast %add3A_165 : i32 to index
      %swap3A_167 = tpu.vector_load %arg7[%swap3A_166] {strides = array<i32>} : memref<8192xf32, #tpu.memory_space<vmem>>, vector<16xf32>,
      %swap3A_168 = vector.shape_cast %swap3A_167 : vector<16xf32> to vector<16xf32>
      %swap3A_169 = vector.shape_cast %broadcast_in_dim3A_6 : vector<16xf32> to vector<16xf32>
      tpu.vector_store %arg7[%swap3A_166], %swap3A_169 {strides = array<i32>} : memref<8192xf32, #tpu.memory_space<vmem>>, vector<16xf32>,
      %mul3A_170 = arith.constant 128 : i32
      %mul3A_171 = arith.muli %scan3A_145, %mul3A_170 : i32
      %add3A_172 = arith.constant 48 : i32
      %add3A_173 = arith.addi %mul3A_171, %add3A_172 : i32
      %swap3A_174 = arith.index_cast %add3A_173 : i32 to index
      %swap3A_175 = tpu.vector_load %arg7[%swap3A_174] {strides = array<i32>} : memref<8192xf32, #tpu.memory_space<vmem>>, vector<16xf32>,
      %swap3A_176 = vector.shape_cast %swap3A_175 : vector<16xf32> to vector<16xf32>
      %swap3A_177 = vector.shape_cast %broadcast_in_dim3A_6 : vector<16xf32> to vector<16xf32>
      tpu.vector_store %arg7[%swap3A_174], %swap3A_177 {strides = array<i32>} : memref<8192xf32, #tpu.memory_space<vmem>>, vector<16xf32>,
      %mul3A_178 = arith.constant 128 : i32
      %mul3A_179 = arith.muli %scan3A_145, %mul3A_178 : i32
      %add3A_180 = arith.constant 64 : i32
      %add3A_181 = arith.addi %mul3A_179, %add3A_180 : i32
      %swap3A_182 = arith.index_cast %add3A_181 : i32 to index
      %swap3A_183 = tpu.vector_load %arg7[%swap3A_182] {strides = array<i32>} : memref<8192xf32, #tpu.memory_space<vmem>>, vector<16xf32>,
      %swap3A_184 = vector.shape_cast %swap3A_183 : vector<16xf32> to vector<16xf32>
      %swap3A_185 = vector.shape_cast %broadcast_in_dim3A_6 : vector<16xf32> to vector<16xf32>
      tpu.vector_store %arg7[%swap3A_182], %swap3A_185 {strides = array<i32>} : memref<8192xf32, #tpu.memory_space<vmem>>, vector<16xf32>,
      %mul3A_186 = arith.constant 128 : i32
      %mul3A_187 = arith.muli %scan3A_145, %mul3A_186 : i32
      %add3A_188 = arith.constant 80 : i32
      %add3A_189 = arith.addi %mul3A_187, %add3A_188 : i32
      %swap3A_190 = arith.index_cast %add3A_189 : i32 to index
      %swap3A_191 = tpu.vector_load %arg7[%swap3A_190] {strides = array<i32>} : memref<8192xf32, #tpu.memory_space<vmem>>, vector<16xf32>,
      %swap3A_192 = vector.shape_cast %swap3A_191 : vector<16xf32> to vector<16xf32>
      %swap3A_193 = vector.shape_cast %broadcast_in_dim3A_6 : vector<16xf32> to vector<16xf32>
      tpu.vector_store %arg7[%swap3A_190], %swap3A_193 {strides = array<i32>} : memref<8192xf32, #tpu.memory_space<vmem>>, vector<16xf32>,
      %mul3A_194 = arith.constant 128 : i32
      %mul3A_195 = arith.muli %scan3A_145, %mul3A_194 : i32
      %add3A_196 = arith.constant 96 : i32
      %add3A_197 = arith.addi %mul3A_195, %add3A_196 : i32
      %swap3A_198 = arith.index_cast %add3A_197 : i32 to index
      %swap3A_199 = tpu.vector_load %arg7[%swap3A_198] {strides = array<i32>} : memref<8192xf32, #tpu.memory_space<vmem>>, vector<16xf32>,
      %swap3A_200 = vector.shape_cast %swap3A_199 : vector<16xf32> to vector<16xf32>
      %swap3A_201 = vector.shape_cast %broadcast_in_dim3A_6 : vector<16xf32> to vector<16xf32>
      tpu.vector_store %arg7[%swap3A_198], %swap3A_201 {strides = array<i32>} : memref<8192xf32, #tpu.memory_space<vmem>>, vector<16xf32>,
      %mul3A_202 = arith.constant 128 : i32
      %mul3A_203 = arith.muli %scan3A_145, %mul3A_202 : i32
      %add3A_204 = arith.constant 112 : i32
      %add3A_205 = arith.addi %mul3A_203, %add3A_204 : i32
      %swap3A_206 = arith.index_cast %add3A_205 : i32 to index
      %swap3A_207 = tpu.vector_load %arg7[%swap3A_206] {strides = array<i32>} : memref<8192xf32, #tpu.memory_space<vmem>>, vector<16xf32>,
      %swap3A_208 = vector.shape_cast %swap3A_207 : vector<16xf32> to vector<16xf32>
      %swap3A_209 = vector.shape_cast %broadcast_in_dim3A_6 : vector<16xf32> to vector<16xf32>
      tpu.vector_store %arg7[%swap3A_206], %swap3A_209 {strides = array<i32>} : memref<8192xf32, #tpu.memory_space<vmem>>, vector<16xf32>,
      %scan3A_210 = arith.constant 0 : i32
      scf.yield %scan3A_210 : i32
    }
    %scan3A_12 = arith.constant 64 : i32
    %mul3A_13 = arith.constant 32768 : i32
    %mul3A_14 = arith.muli %arg1, %mul3A_13 : i32
    %add3A_15 = arith.constant 0 : i32
    %add3A_16 = arith.addi %mul3A_14, %add3A_15 : i32
    "tpu.region"() ({
      %run_scoped3A = tpu.sem_alloc : memref<!tpu.dma_semaphore, #tpu.memory_space<semaphore_mem>>
      %dma_start3A_145 = tpu.memref_slice %arg8[%add3A_16] : memref<524288xf32, #tpu.memory_space<vmem_shared>> -> memref<8192xf32, #tpu.memory_space<vmem_shared>>
      %dma_start3A_146 = tpu.memref_slice %arg8[%add3A_16] : memref<524288xf32, #tpu.memory_space<vmem_shared>> -> memref<8192xf32, #tpu.memory_space<vmem_shared>>
      tpu.enqueue_dma source(%arg7 : memref<8192xf32, #tpu.memory_space<vmem>>) target(%dma_start3A_146 : memref<8192xf32, #tpu.memory_space<vmem_shared>>) target_semaphore(%run_scoped3A : memref<!tpu.dma_semaphore, #tpu.memory_space<semaphore_mem>>)
      %dma_wait3A_147 = tpu.memref_slice %arg8[%add3A_16] : memref<524288xf32, #tpu.memory_space<vmem_shared>> -> memref<8192xf32, #tpu.memory_space<vmem_shared>>
      %dma_wait3A_148 = tpu.memref_slice %arg8[%add3A_16] : memref<524288xf32, #tpu.memory_space<vmem_shared>> -> memref<8192xf32, #tpu.memory_space<vmem_shared>>
      tpu.wait_dma2 semaphore(%run_scoped3A : memref<!tpu.dma_semaphore, #tpu.memory_space<semaphore_mem>>) src(%arg7 : memref<8192xf32, #tpu.memory_space<vmem>>) dst(%dma_wait3A_148 : memref<8192xf32, #tpu.memory_space<vmem_shared>>)
      tpu.yield
    }) : () -> ()
    %mul3A_17 = arith.constant 32768 : i32
    %mul3A_18 = arith.muli %arg1, %mul3A_17 : i32
    %add3A_19 = arith.constant 8192 : i32
    %add3A_20 = arith.addi %mul3A_18, %add3A_19 : i32
    "tpu.region"() ({
      %run_scoped3A = tpu.sem_alloc : memref<!tpu.dma_semaphore, #tpu.memory_space<semaphore_mem>>
      %dma_start3A_145 = tpu.memref_slice %arg8[%add3A_20] : memref<524288xf32, #tpu.memory_space<vmem_shared>> -> memref<8192xf32, #tpu.memory_space<vmem_shared>>
      %dma_start3A_146 = tpu.memref_slice %arg8[%add3A_20] : memref<524288xf32, #tpu.memory_space<vmem_shared>> -> memref<8192xf32, #tpu.memory_space<vmem_shared>>
      tpu.enqueue_dma source(%arg7 : memref<8192xf32, #tpu.memory_space<vmem>>) target(%dma_start3A_146 : memref<8192xf32, #tpu.memory_space<vmem_shared>>) target_semaphore(%run_scoped3A : memref<!tpu.dma_semaphore, #tpu.memory_space<semaphore_mem>>)
      %dma_wait3A_147 = tpu.memref_slice %arg8[%add3A_20] : memref<524288xf32, #tpu.memory_space<vmem_shared>> -> memref<8192xf32, #tpu.memory_space<vmem_shared>>
      %dma_wait3A_148 = tpu.memref_slice %arg8[%add3A_20] : memref<524288xf32, #tpu.memory_space<vmem_shared>> -> memref<8192xf32, #tpu.memory_space<vmem_shared>>
      tpu.wait_dma2 semaphore(%run_scoped3A : memref<!tpu.dma_semaphore, #tpu.memory_space<semaphore_mem>>) src(%arg7 : memref<8192xf32, #tpu.memory_space<vmem>>) dst(%dma_wait3A_148 : memref<8192xf32, #tpu.memory_space<vmem_shared>>)
      tpu.yield
    }) : () -> ()
    %mul3A_21 = arith.constant 32768 : i32
    %mul3A_22 = arith.muli %arg1, %mul3A_21 : i32
    %add3A_23 = arith.constant 16384 : i32
    %add3A_24 = arith.addi %mul3A_22, %add3A_23 : i32
    "tpu.region"() ({
      %run_scoped3A = tpu.sem_alloc : memref<!tpu.dma_semaphore, #tpu.memory_space<semaphore_mem>>
      %dma_start3A_145 = tpu.memref_slice %arg8[%add3A_24] : memref<524288xf32, #tpu.memory_space<vmem_shared>> -> memref<8192xf32, #tpu.memory_space<vmem_shared>>
      %dma_start3A_146 = tpu.memref_slice %arg8[%add3A_24] : memref<524288xf32, #tpu.memory_space<vmem_shared>> -> memref<8192xf32, #tpu.memory_space<vmem_shared>>
      tpu.enqueue_dma source(%arg7 : memref<8192xf32, #tpu.memory_space<vmem>>) target(%dma_start3A_146 : memref<8192xf32, #tpu.memory_space<vmem_shared>>) target_semaphore(%run_scoped3A : memref<!tpu.dma_semaphore, #tpu.memory_space<semaphore_mem>>)
      %dma_wait3A_147 = tpu.memref_slice %arg8[%add3A_24] : memref<524288xf32, #tpu.memory_space<vmem_shared>> -> memref<8192xf32, #tpu.memory_space<vmem_shared>>
      %dma_wait3A_148 = tpu.memref_slice %arg8[%add3A_24] : memref<524288xf32, #tpu.memory_space<vmem_shared>> -> memref<8192xf32, #tpu.memory_space<vmem_shared>>
      tpu.wait_dma2 semaphore(%run_scoped3A : memref<!tpu.dma_semaphore, #tpu.memory_space<semaphore_mem>>) src(%arg7 : memref<8192xf32, #tpu.memory_space<vmem>>) dst(%dma_wait3A_148 : memref<8192xf32, #tpu.memory_space<vmem_shared>>)
      tpu.yield
    }) : () -> ()
    %mul3A_25 = arith.constant 32768 : i32
    %mul3A_26 = arith.muli %arg1, %mul3A_25 : i32
    %add3A_27 = arith.constant 24576 : i32
    %add3A_28 = arith.addi %mul3A_26, %add3A_27 : i32
    "tpu.region"() ({
      %run_scoped3A = tpu.sem_alloc : memref<!tpu.dma_semaphore, #tpu.memory_space<semaphore_mem>>
      %dma_start3A_145 = tpu.memref_slice %arg8[%add3A_28] : memref<524288xf32, #tpu.memory_space<vmem_shared>> -> memref<8192xf32, #tpu.memory_space<vmem_shared>>
      %dma_start3A_146 = tpu.memref_slice %arg8[%add3A_28] : memref<524288xf32, #tpu.memory_space<vmem_shared>> -> memref<8192xf32, #tpu.memory_space<vmem_shared>>
      tpu.enqueue_dma source(%arg7 : memref<8192xf32, #tpu.memory_space<vmem>>) target(%dma_start3A_146 : memref<8192xf32, #tpu.memory_space<vmem_shared>>) target_semaphore(%run_scoped3A : memref<!tpu.dma_semaphore, #tpu.memory_space<semaphore_mem>>)
      %dma_wait3A_147 = tpu.memref_slice %arg8[%add3A_28] : memref<524288xf32, #tpu.memory_space<vmem_shared>> -> memref<8192xf32, #tpu.memory_space<vmem_shared>>
      %dma_wait3A_148 = tpu.memref_slice %arg8[%add3A_28] : memref<524288xf32, #tpu.memory_space<vmem_shared>> -> memref<8192xf32, #tpu.memory_space<vmem_shared>>
      tpu.wait_dma2 semaphore(%run_scoped3A : memref<!tpu.dma_semaphore, #tpu.memory_space<semaphore_mem>>) src(%arg7 : memref<8192xf32, #tpu.memory_space<vmem>>) dst(%dma_wait3A_148 : memref<8192xf32, #tpu.memory_space<vmem_shared>>)
      tpu.yield
    }) : () -> ()
    %dma_wait3A = tpu.memref_slice %arg2[%add3A] : memref<262144xi32, #tpu.memory_space<hbm>> -> memref<8192xi32, #tpu.memory_space<hbm>>
    %dma_wait3A_29 = tpu.memref_slice %arg2[%add3A] : memref<262144xi32, #tpu.memory_space<hbm>> -> memref<8192xi32, #tpu.memory_space<hbm>>
    tpu.wait_dma2 semaphore(%arg9 : memref<!tpu.dma_semaphore, #tpu.memory_space<semaphore_mem>>) src(%dma_wait3A_29 : memref<8192xi32, #tpu.memory_space<hbm>>) dst(%arg5 : memref<8192xi32, #tpu.memory_space<vmem>>)
    %dma_wait3A_30 = tpu.memref_slice %arg3[%add3A] : memref<262144xi32, #tpu.memory_space<hbm>> -> memref<8192xi32, #tpu.memory_space<hbm>>
    %dma_wait3A_31 = tpu.memref_slice %arg3[%add3A] : memref<262144xi32, #tpu.memory_space<hbm>> -> memref<8192xi32, #tpu.memory_space<hbm>>
    tpu.wait_dma2 semaphore(%arg10 : memref<!tpu.dma_semaphore, #tpu.memory_space<semaphore_mem>>) src(%dma_wait3A_31 : memref<8192xi32, #tpu.memory_space<hbm>>) dst(%arg6 : memref<8192xi32, #tpu.memory_space<vmem>>)
    %broadcast_in_dim3A_32 = arith.constant 1.000000e+00 : f32
    %broadcast_in_dim3A_33 = vector.broadcast %broadcast_in_dim3A_32 : f32 to vector<16xf32>
    %scan3A_34 = arith.constant 0 : i32
    %scan3A_35 = arith.constant 0 : i32
    %scan3A_36 = arith.constant 64 : i32
    %scan3A_37 = arith.addi %scan3A_35, %scan3A_36 : i32
    %scan3A_38 = arith.constant 1 : i32
    %scan3A_39 = scf.for %scan3A_145 = %scan3A_35 to %scan3A_37 step %scan3A_38 iter_args(%scan3A_146 = %scan3A_34) -> (i32)  : i32 {
      %mul3A_147 = arith.constant 128 : i32
      %mul3A_148 = arith.muli %scan3A_145, %mul3A_147 : i32
      %add3A_149 = arith.constant 0 : i32
      %add3A_150 = arith.addi %mul3A_148, %add3A_149 : i32
      %get3A = arith.index_cast %add3A_150 : i32 to index
      %get3A_151 = tpu.vector_load %arg5[%get3A] {strides = array<i32>} : memref<8192xi32, #tpu.memory_space<vmem>>, vector<16xi32>,
      %get3A_152 = vector.shape_cast %get3A_151 : vector<16xi32> to vector<16xi32>
      %get3A_153 = arith.index_cast %add3A_150 : i32 to index
      %get3A_154 = tpu.vector_load %arg6[%get3A_153] {strides = array<i32>} : memref<8192xi32, #tpu.memory_space<vmem>>, vector<16xi32>,
      %get3A_155 = vector.shape_cast %get3A_154 : vector<16xi32> to vector<16xi32>
      %mul3A_156 = arith.constant 128 : i32
      %mul3A_157 = vector.broadcast %mul3A_156 : i32 to vector<16xi32>
      %mul3A_158 = arith.muli %get3A_155, %mul3A_157 : vector<16xi32>
      %add3A_159 = arith.addi %mul3A_158, %get3A_152 : vector<16xi32>
      %sub3A = arith.constant 1 : i32
      %sub3A_160 = vector.broadcast %sub3A : i32 to vector<16xi32>
      %sub3A_161 = arith.subi %add3A_159, %sub3A_160 : vector<16xi32>
      %swap3A = arith.index_cast %add3A_150 : i32 to index
      %swap3A_162 = tpu.vector_load %arg5[%swap3A] {strides = array<i32>} : memref<8192xi32, #tpu.memory_space<vmem>>, vector<16xi32>,
      %swap3A_163 = vector.shape_cast %swap3A_162 : vector<16xi32> to vector<16xi32>
      %swap3A_164 = vector.shape_cast %sub3A_161 : vector<16xi32> to vector<16xi32>
      tpu.vector_store %arg5[%swap3A], %swap3A_164 {strides = array<i32>} : memref<8192xi32, #tpu.memory_space<vmem>>, vector<16xi32>,
      %swap3A_165 = arith.index_cast %add3A_150 : i32 to index
      %swap3A_166 = tpu.vector_load %arg7[%swap3A_165] {strides = array<i32>} : memref<8192xf32, #tpu.memory_space<vmem>>, vector<16xf32>,
      %swap3A_167 = vector.shape_cast %swap3A_166 : vector<16xf32> to vector<16xf32>
      %swap3A_168 = vector.shape_cast %broadcast_in_dim3A_33 : vector<16xf32> to vector<16xf32>
      tpu.vector_store %arg7[%swap3A_165], %swap3A_168 {strides = array<i32>} : memref<8192xf32, #tpu.memory_space<vmem>>, vector<16xf32>,
      %mul3A_169 = arith.constant 128 : i32
      %mul3A_170 = arith.muli %scan3A_145, %mul3A_169 : i32
      %add3A_171 = arith.constant 16 : i32
      %add3A_172 = arith.addi %mul3A_170, %add3A_171 : i32
      %get3A_173 = arith.index_cast %add3A_172 : i32 to index
      %get3A_174 = tpu.vector_load %arg5[%get3A_173] {strides = array<i32>} : memref<8192xi32, #tpu.memory_space<vmem>>, vector<16xi32>,
      %get3A_175 = vector.shape_cast %get3A_174 : vector<16xi32> to vector<16xi32>
      %get3A_176 = arith.index_cast %add3A_172 : i32 to index
      %get3A_177 = tpu.vector_load %arg6[%get3A_176] {strides = array<i32>} : memref<8192xi32, #tpu.memory_space<vmem>>, vector<16xi32>,
      %get3A_178 = vector.shape_cast %get3A_177 : vector<16xi32> to vector<16xi32>
      %mul3A_179 = arith.constant 128 : i32
      %mul3A_180 = vector.broadcast %mul3A_179 : i32 to vector<16xi32>
      %mul3A_181 = arith.muli %get3A_178, %mul3A_180 : vector<16xi32>
      %add3A_182 = arith.addi %mul3A_181, %get3A_175 : vector<16xi32>
      %sub3A_183 = arith.constant 1 : i32
      %sub3A_184 = vector.broadcast %sub3A_183 : i32 to vector<16xi32>
      %sub3A_185 = arith.subi %add3A_182, %sub3A_184 : vector<16xi32>
      %swap3A_186 = arith.index_cast %add3A_172 : i32 to index
      %swap3A_187 = tpu.vector_load %arg5[%swap3A_186] {strides = array<i32>} : memref<8192xi32, #tpu.memory_space<vmem>>, vector<16xi32>,
      %swap3A_188 = vector.shape_cast %swap3A_187 : vector<16xi32> to vector<16xi32>
      %swap3A_189 = vector.shape_cast %sub3A_185 : vector<16xi32> to vector<16xi32>
      tpu.vector_store %arg5[%swap3A_186], %swap3A_189 {strides = array<i32>} : memref<8192xi32, #tpu.memory_space<vmem>>, vector<16xi32>,
      %swap3A_190 = arith.index_cast %add3A_172 : i32 to index
      %swap3A_191 = tpu.vector_load %arg7[%swap3A_190] {strides = array<i32>} : memref<8192xf32, #tpu.memory_space<vmem>>, vector<16xf32>,
      %swap3A_192 = vector.shape_cast %swap3A_191 : vector<16xf32> to vector<16xf32>
      %swap3A_193 = vector.shape_cast %broadcast_in_dim3A_33 : vector<16xf32> to vector<16xf32>
      tpu.vector_store %arg7[%swap3A_190], %swap3A_193 {strides = array<i32>} : memref<8192xf32, #tpu.memory_space<vmem>>, vector<16xf32>,
      %mul3A_194 = arith.constant 128 : i32
      %mul3A_195 = arith.muli %scan3A_145, %mul3A_194 : i32
      %add3A_196 = arith.constant 32 : i32
      %add3A_197 = arith.addi %mul3A_195, %add3A_196 : i32
      %get3A_198 = arith.index_cast %add3A_197 : i32 to index
      %get3A_199 = tpu.vector_load %arg5[%get3A_198] {strides = array<i32>} : memref<8192xi32, #tpu.memory_space<vmem>>, vector<16xi32>,
      %get3A_200 = vector.shape_cast %get3A_199 : vector<16xi32> to vector<16xi32>
      %get3A_201 = arith.index_cast %add3A_197 : i32 to index
      %get3A_202 = tpu.vector_load %arg6[%get3A_201] {strides = array<i32>} : memref<8192xi32, #tpu.memory_space<vmem>>, vector<16xi32>,
      %get3A_203 = vector.shape_cast %get3A_202 : vector<16xi32> to vector<16xi32>
      %mul3A_204 = arith.constant 128 : i32
      %mul3A_205 = vector.broadcast %mul3A_204 : i32 to vector<16xi32>
      %mul3A_206 = arith.muli %get3A_203, %mul3A_205 : vector<16xi32>
      %add3A_207 = arith.addi %mul3A_206, %get3A_200 : vector<16xi32>
      %sub3A_208 = arith.constant 1 : i32
      %sub3A_209 = vector.broadcast %sub3A_208 : i32 to vector<16xi32>
      %sub3A_210 = arith.subi %add3A_207, %sub3A_209 : vector<16xi32>
      %swap3A_211 = arith.index_cast %add3A_197 : i32 to index
      %swap3A_212 = tpu.vector_load %arg5[%swap3A_211] {strides = array<i32>} : memref<8192xi32, #tpu.memory_space<vmem>>, vector<16xi32>,
      %swap3A_213 = vector.shape_cast %swap3A_212 : vector<16xi32> to vector<16xi32>
      %swap3A_214 = vector.shape_cast %sub3A_210 : vector<16xi32> to vector<16xi32>
      tpu.vector_store %arg5[%swap3A_211], %swap3A_214 {strides = array<i32>} : memref<8192xi32, #tpu.memory_space<vmem>>, vector<16xi32>,
      %swap3A_215 = arith.index_cast %add3A_197 : i32 to index
      %swap3A_216 = tpu.vector_load %arg7[%swap3A_215] {strides = array<i32>} : memref<8192xf32, #tpu.memory_space<vmem>>, vector<16xf32>,
      %swap3A_217 = vector.shape_cast %swap3A_216 : vector<16xf32> to vector<16xf32>
      %swap3A_218 = vector.shape_cast %broadcast_in_dim3A_33 : vector<16xf32> to vector<16xf32>
      tpu.vector_store %arg7[%swap3A_215], %swap3A_218 {strides = array<i32>} : memref<8192xf32, #tpu.memory_space<vmem>>, vector<16xf32>,
      %mul3A_219 = arith.constant 128 : i32
      %mul3A_220 = arith.muli %scan3A_145, %mul3A_219 : i32
      %add3A_221 = arith.constant 48 : i32
      %add3A_222 = arith.addi %mul3A_220, %add3A_221 : i32
      %get3A_223 = arith.index_cast %add3A_222 : i32 to index
      %get3A_224 = tpu.vector_load %arg5[%get3A_223] {strides = array<i32>} : memref<8192xi32, #tpu.memory_space<vmem>>, vector<16xi32>,
      %get3A_225 = vector.shape_cast %get3A_224 : vector<16xi32> to vector<16xi32>
      %get3A_226 = arith.index_cast %add3A_222 : i32 to index
      %get3A_227 = tpu.vector_load %arg6[%get3A_226] {strides = array<i32>} : memref<8192xi32, #tpu.memory_space<vmem>>, vector<16xi32>,
      %get3A_228 = vector.shape_cast %get3A_227 : vector<16xi32> to vector<16xi32>
      %mul3A_229 = arith.constant 128 : i32
      %mul3A_230 = vector.broadcast %mul3A_229 : i32 to vector<16xi32>
      %mul3A_231 = arith.muli %get3A_228, %mul3A_230 : vector<16xi32>
      %add3A_232 = arith.addi %mul3A_231, %get3A_225 : vector<16xi32>
      %sub3A_233 = arith.constant 1 : i32
      %sub3A_234 = vector.broadcast %sub3A_233 : i32 to vector<16xi32>
      %sub3A_235 = arith.subi %add3A_232, %sub3A_234 : vector<16xi32>
      %swap3A_236 = arith.index_cast %add3A_222 : i32 to index
      %swap3A_237 = tpu.vector_load %arg5[%swap3A_236] {strides = array<i32>} : memref<8192xi32, #tpu.memory_space<vmem>>, vector<16xi32>,
      %swap3A_238 = vector.shape_cast %swap3A_237 : vector<16xi32> to vector<16xi32>
      %swap3A_239 = vector.shape_cast %sub3A_235 : vector<16xi32> to vector<16xi32>
      tpu.vector_store %arg5[%swap3A_236], %swap3A_239 {strides = array<i32>} : memref<8192xi32, #tpu.memory_space<vmem>>, vector<16xi32>,
      %swap3A_240 = arith.index_cast %add3A_222 : i32 to index
      %swap3A_241 = tpu.vector_load %arg7[%swap3A_240] {strides = array<i32>} : memref<8192xf32, #tpu.memory_space<vmem>>, vector<16xf32>,
      %swap3A_242 = vector.shape_cast %swap3A_241 : vector<16xf32> to vector<16xf32>
      %swap3A_243 = vector.shape_cast %broadcast_in_dim3A_33 : vector<16xf32> to vector<16xf32>
      tpu.vector_store %arg7[%swap3A_240], %swap3A_243 {strides = array<i32>} : memref<8192xf32, #tpu.memory_space<vmem>>, vector<16xf32>,
      %mul3A_244 = arith.constant 128 : i32
      %mul3A_245 = arith.muli %scan3A_145, %mul3A_244 : i32
      %add3A_246 = arith.constant 64 : i32
      %add3A_247 = arith.addi %mul3A_245, %add3A_246 : i32
      %get3A_248 = arith.index_cast %add3A_247 : i32 to index
      %get3A_249 = tpu.vector_load %arg5[%get3A_248] {strides = array<i32>} : memref<8192xi32, #tpu.memory_space<vmem>>, vector<16xi32>,
      %get3A_250 = vector.shape_cast %get3A_249 : vector<16xi32> to vector<16xi32>
      %get3A_251 = arith.index_cast %add3A_247 : i32 to index
      %get3A_252 = tpu.vector_load %arg6[%get3A_251] {strides = array<i32>} : memref<8192xi32, #tpu.memory_space<vmem>>, vector<16xi32>,
      %get3A_253 = vector.shape_cast %get3A_252 : vector<16xi32> to vector<16xi32>
      %mul3A_254 = arith.constant 128 : i32
      %mul3A_255 = vector.broadcast %mul3A_254 : i32 to vector<16xi32>
      %mul3A_256 = arith.muli %get3A_253, %mul3A_255 : vector<16xi32>
      %add3A_257 = arith.addi %mul3A_256, %get3A_250 : vector<16xi32>
      %sub3A_258 = arith.constant 1 : i32
      %sub3A_259 = vector.broadcast %sub3A_258 : i32 to vector<16xi32>
      %sub3A_260 = arith.subi %add3A_257, %sub3A_259 : vector<16xi32>
      %swap3A_261 = arith.index_cast %add3A_247 : i32 to index
      %swap3A_262 = tpu.vector_load %arg5[%swap3A_261] {strides = array<i32>} : memref<8192xi32, #tpu.memory_space<vmem>>, vector<16xi32>,
      %swap3A_263 = vector.shape_cast %swap3A_262 : vector<16xi32> to vector<16xi32>
      %swap3A_264 = vector.shape_cast %sub3A_260 : vector<16xi32> to vector<16xi32>
      tpu.vector_store %arg5[%swap3A_261], %swap3A_264 {strides = array<i32>} : memref<8192xi32, #tpu.memory_space<vmem>>, vector<16xi32>,
      %swap3A_265 = arith.index_cast %add3A_247 : i32 to index
      %swap3A_266 = tpu.vector_load %arg7[%swap3A_265] {strides = array<i32>} : memref<8192xf32, #tpu.memory_space<vmem>>, vector<16xf32>,
      %swap3A_267 = vector.shape_cast %swap3A_266 : vector<16xf32> to vector<16xf32>
      %swap3A_268 = vector.shape_cast %broadcast_in_dim3A_33 : vector<16xf32> to vector<16xf32>
      tpu.vector_store %arg7[%swap3A_265], %swap3A_268 {strides = array<i32>} : memref<8192xf32, #tpu.memory_space<vmem>>, vector<16xf32>,
      %mul3A_269 = arith.constant 128 : i32
      %mul3A_270 = arith.muli %scan3A_145, %mul3A_269 : i32
      %add3A_271 = arith.constant 80 : i32
      %add3A_272 = arith.addi %mul3A_270, %add3A_271 : i32
      %get3A_273 = arith.index_cast %add3A_272 : i32 to index
      %get3A_274 = tpu.vector_load %arg5[%get3A_273] {strides = array<i32>} : memref<8192xi32, #tpu.memory_space<vmem>>, vector<16xi32>,
      %get3A_275 = vector.shape_cast %get3A_274 : vector<16xi32> to vector<16xi32>
      %get3A_276 = arith.index_cast %add3A_272 : i32 to index
      %get3A_277 = tpu.vector_load %arg6[%get3A_276] {strides = array<i32>} : memref<8192xi32, #tpu.memory_space<vmem>>, vector<16xi32>,
      %get3A_278 = vector.shape_cast %get3A_277 : vector<16xi32> to vector<16xi32>
      %mul3A_279 = arith.constant 128 : i32
      %mul3A_280 = vector.broadcast %mul3A_279 : i32 to vector<16xi32>
      %mul3A_281 = arith.muli %get3A_278, %mul3A_280 : vector<16xi32>
      %add3A_282 = arith.addi %mul3A_281, %get3A_275 : vector<16xi32>
      %sub3A_283 = arith.constant 1 : i32
      %sub3A_284 = vector.broadcast %sub3A_283 : i32 to vector<16xi32>
      %sub3A_285 = arith.subi %add3A_282, %sub3A_284 : vector<16xi32>
      %swap3A_286 = arith.index_cast %add3A_272 : i32 to index
      %swap3A_287 = tpu.vector_load %arg5[%swap3A_286] {strides = array<i32>} : memref<8192xi32, #tpu.memory_space<vmem>>, vector<16xi32>,
      %swap3A_288 = vector.shape_cast %swap3A_287 : vector<16xi32> to vector<16xi32>
      %swap3A_289 = vector.shape_cast %sub3A_285 : vector<16xi32> to vector<16xi32>
      tpu.vector_store %arg5[%swap3A_286], %swap3A_289 {strides = array<i32>} : memref<8192xi32, #tpu.memory_space<vmem>>, vector<16xi32>,
      %swap3A_290 = arith.index_cast %add3A_272 : i32 to index
      %swap3A_291 = tpu.vector_load %arg7[%swap3A_290] {strides = array<i32>} : memref<8192xf32, #tpu.memory_space<vmem>>, vector<16xf32>,
      %swap3A_292 = vector.shape_cast %swap3A_291 : vector<16xf32> to vector<16xf32>
      %swap3A_293 = vector.shape_cast %broadcast_in_dim3A_33 : vector<16xf32> to vector<16xf32>
      tpu.vector_store %arg7[%swap3A_290], %swap3A_293 {strides = array<i32>} : memref<8192xf32, #tpu.memory_space<vmem>>, vector<16xf32>,
      %mul3A_294 = arith.constant 128 : i32
      %mul3A_295 = arith.muli %scan3A_145, %mul3A_294 : i32
      %add3A_296 = arith.constant 96 : i32
      %add3A_297 = arith.addi %mul3A_295, %add3A_296 : i32
      %get3A_298 = arith.index_cast %add3A_297 : i32 to index
      %get3A_299 = tpu.vector_load %arg5[%get3A_298] {strides = array<i32>} : memref<8192xi32, #tpu.memory_space<vmem>>, vector<16xi32>,
      %get3A_300 = vector.shape_cast %get3A_299 : vector<16xi32> to vector<16xi32>
      %get3A_301 = arith.index_cast %add3A_297 : i32 to index
      %get3A_302 = tpu.vector_load %arg6[%get3A_301] {strides = array<i32>} : memref<8192xi32, #tpu.memory_space<vmem>>, vector<16xi32>,
      %get3A_303 = vector.shape_cast %get3A_302 : vector<16xi32> to vector<16xi32>
      %mul3A_304 = arith.constant 128 : i32
      %mul3A_305 = vector.broadcast %mul3A_304 : i32 to vector<16xi32>
      %mul3A_306 = arith.muli %get3A_303, %mul3A_305 : vector<16xi32>
      %add3A_307 = arith.addi %mul3A_306, %get3A_300 : vector<16xi32>
      %sub3A_308 = arith.constant 1 : i32
      %sub3A_309 = vector.broadcast %sub3A_308 : i32 to vector<16xi32>
      %sub3A_310 = arith.subi %add3A_307, %sub3A_309 : vector<16xi32>
      %swap3A_311 = arith.index_cast %add3A_297 : i32 to index
      %swap3A_312 = tpu.vector_load %arg5[%swap3A_311] {strides = array<i32>} : memref<8192xi32, #tpu.memory_space<vmem>>, vector<16xi32>,
      %swap3A_313 = vector.shape_cast %swap3A_312 : vector<16xi32> to vector<16xi32>
      %swap3A_314 = vector.shape_cast %sub3A_310 : vector<16xi32> to vector<16xi32>
      tpu.vector_store %arg5[%swap3A_311], %swap3A_314 {strides = array<i32>} : memref<8192xi32, #tpu.memory_space<vmem>>, vector<16xi32>,
      %swap3A_315 = arith.index_cast %add3A_297 : i32 to index
      %swap3A_316 = tpu.vector_load %arg7[%swap3A_315] {strides = array<i32>} : memref<8192xf32, #tpu.memory_space<vmem>>, vector<16xf32>,
      %swap3A_317 = vector.shape_cast %swap3A_316 : vector<16xf32> to vector<16xf32>
      %swap3A_318 = vector.shape_cast %broadcast_in_dim3A_33 : vector<16xf32> to vector<16xf32>
      tpu.vector_store %arg7[%swap3A_315], %swap3A_318 {strides = array<i32>} : memref<8192xf32, #tpu.memory_space<vmem>>, vector<16xf32>,
      %mul3A_319 = arith.constant 128 : i32
      %mul3A_320 = arith.muli %scan3A_145, %mul3A_319 : i32
      %add3A_321 = arith.constant 112 : i32
      %add3A_322 = arith.addi %mul3A_320, %add3A_321 : i32
      %get3A_323 = arith.index_cast %add3A_322 : i32 to index
      %get3A_324 = tpu.vector_load %arg5[%get3A_323] {strides = array<i32>} : memref<8192xi32, #tpu.memory_space<vmem>>, vector<16xi32>,
      %get3A_325 = vector.shape_cast %get3A_324 : vector<16xi32> to vector<16xi32>
      %get3A_326 = arith.index_cast %add3A_322 : i32 to index
      %get3A_327 = tpu.vector_load %arg6[%get3A_326] {strides = array<i32>} : memref<8192xi32, #tpu.memory_space<vmem>>, vector<16xi32>,
      %get3A_328 = vector.shape_cast %get3A_327 : vector<16xi32> to vector<16xi32>
      %mul3A_329 = arith.constant 128 : i32
      %mul3A_330 = vector.broadcast %mul3A_329 : i32 to vector<16xi32>
      %mul3A_331 = arith.muli %get3A_328, %mul3A_330 : vector<16xi32>
      %add3A_332 = arith.addi %mul3A_331, %get3A_325 : vector<16xi32>
      %sub3A_333 = arith.constant 1 : i32
      %sub3A_334 = vector.broadcast %sub3A_333 : i32 to vector<16xi32>
      %sub3A_335 = arith.subi %add3A_332, %sub3A_334 : vector<16xi32>
      %swap3A_336 = arith.index_cast %add3A_322 : i32 to index
      %swap3A_337 = tpu.vector_load %arg5[%swap3A_336] {strides = array<i32>} : memref<8192xi32, #tpu.memory_space<vmem>>, vector<16xi32>,
      %swap3A_338 = vector.shape_cast %swap3A_337 : vector<16xi32> to vector<16xi32>
      %swap3A_339 = vector.shape_cast %sub3A_335 : vector<16xi32> to vector<16xi32>
      tpu.vector_store %arg5[%swap3A_336], %swap3A_339 {strides = array<i32>} : memref<8192xi32, #tpu.memory_space<vmem>>, vector<16xi32>,
      %swap3A_340 = arith.index_cast %add3A_322 : i32 to index
      %swap3A_341 = tpu.vector_load %arg7[%swap3A_340] {strides = array<i32>} : memref<8192xf32, #tpu.memory_space<vmem>>, vector<16xf32>,
      %swap3A_342 = vector.shape_cast %swap3A_341 : vector<16xf32> to vector<16xf32>
      %swap3A_343 = vector.shape_cast %broadcast_in_dim3A_33 : vector<16xf32> to vector<16xf32>
      tpu.vector_store %arg7[%swap3A_340], %swap3A_343 {strides = array<i32>} : memref<8192xf32, #tpu.memory_space<vmem>>, vector<16xf32>,
      %scan3A_344 = arith.constant 0 : i32
      scf.yield %scan3A_344 : i32
    }
    %scan3A_40 = arith.constant 64 : i32
    %barrier3A = arith.constant 0 : index
    tpu.barrier barrier_id(%barrier3A)
    %dma_start3A_41 = arith.constant 0 : i32
    %dma_start3A_42 = tpu.memref_slice %arg7[%dma_start3A_41] : memref<8192xf32, #tpu.memory_space<vmem>> -> memref<1024xf32, #tpu.memory_space<vmem>>
    %dma_start3A_43 = arith.constant 0 : i32
    %dma_start3A_44 = tpu.memref_slice %arg5[%dma_start3A_43] : memref<8192xi32, #tpu.memory_space<vmem>> -> memref<1024xi32, #tpu.memory_space<vmem>>
    %dma_start3A_45 = arith.constant 0 : i32
    %dma_start3A_46 = tpu.memref_slice %arg8[%dma_start3A_45] : memref<524288xf32, #tpu.memory_space<vmem_shared>> -> memref<524288xf32, #tpu.memory_space<vmem_shared>>
    tpu.enqueue_indirect_dma source(%dma_start3A_42 : memref<1024xf32, #tpu.memory_space<vmem>>) target(%dma_start3A_46 : memref<524288xf32, #tpu.memory_space<vmem_shared>>) offsets(%dma_start3A_44 : memref<1024xi32, #tpu.memory_space<vmem>>) semaphore(%arg11 : memref<!tpu.dma_semaphore, #tpu.memory_space<semaphore_mem>>) {add = true}
    %dma_start3A_47 = arith.constant 1024 : i32
    %dma_start3A_48 = tpu.memref_slice %arg7[%dma_start3A_47] : memref<8192xf32, #tpu.memory_space<vmem>> -> memref<1024xf32, #tpu.memory_space<vmem>>
    %dma_start3A_49 = arith.constant 1024 : i32
    %dma_start3A_50 = tpu.memref_slice %arg5[%dma_start3A_49] : memref<8192xi32, #tpu.memory_space<vmem>> -> memref<1024xi32, #tpu.memory_space<vmem>>
    %dma_start3A_51 = arith.constant 0 : i32
    %dma_start3A_52 = tpu.memref_slice %arg8[%dma_start3A_51] : memref<524288xf32, #tpu.memory_space<vmem_shared>> -> memref<524288xf32, #tpu.memory_space<vmem_shared>>
    tpu.enqueue_indirect_dma source(%dma_start3A_48 : memref<1024xf32, #tpu.memory_space<vmem>>) target(%dma_start3A_52 : memref<524288xf32, #tpu.memory_space<vmem_shared>>) offsets(%dma_start3A_50 : memref<1024xi32, #tpu.memory_space<vmem>>) semaphore(%arg11 : memref<!tpu.dma_semaphore, #tpu.memory_space<semaphore_mem>>) {add = true}
    %dma_start3A_53 = arith.constant 2048 : i32
    %dma_start3A_54 = tpu.memref_slice %arg7[%dma_start3A_53] : memref<8192xf32, #tpu.memory_space<vmem>> -> memref<1024xf32, #tpu.memory_space<vmem>>
    %dma_start3A_55 = arith.constant 2048 : i32
    %dma_start3A_56 = tpu.memref_slice %arg5[%dma_start3A_55] : memref<8192xi32, #tpu.memory_space<vmem>> -> memref<1024xi32, #tpu.memory_space<vmem>>
    %dma_start3A_57 = arith.constant 0 : i32
    %dma_start3A_58 = tpu.memref_slice %arg8[%dma_start3A_57] : memref<524288xf32, #tpu.memory_space<vmem_shared>> -> memref<524288xf32, #tpu.memory_space<vmem_shared>>
    tpu.enqueue_indirect_dma source(%dma_start3A_54 : memref<1024xf32, #tpu.memory_space<vmem>>) target(%dma_start3A_58 : memref<524288xf32, #tpu.memory_space<vmem_shared>>) offsets(%dma_start3A_56 : memref<1024xi32, #tpu.memory_space<vmem>>) semaphore(%arg11 : memref<!tpu.dma_semaphore, #tpu.memory_space<semaphore_mem>>) {add = true}
    %dma_start3A_59 = arith.constant 3072 : i32
    %dma_start3A_60 = tpu.memref_slice %arg7[%dma_start3A_59] : memref<8192xf32, #tpu.memory_space<vmem>> -> memref<1024xf32, #tpu.memory_space<vmem>>
    %dma_start3A_61 = arith.constant 3072 : i32
    %dma_start3A_62 = tpu.memref_slice %arg5[%dma_start3A_61] : memref<8192xi32, #tpu.memory_space<vmem>> -> memref<1024xi32, #tpu.memory_space<vmem>>
    %dma_start3A_63 = arith.constant 0 : i32
    %dma_start3A_64 = tpu.memref_slice %arg8[%dma_start3A_63] : memref<524288xf32, #tpu.memory_space<vmem_shared>> -> memref<524288xf32, #tpu.memory_space<vmem_shared>>
    tpu.enqueue_indirect_dma source(%dma_start3A_60 : memref<1024xf32, #tpu.memory_space<vmem>>) target(%dma_start3A_64 : memref<524288xf32, #tpu.memory_space<vmem_shared>>) offsets(%dma_start3A_62 : memref<1024xi32, #tpu.memory_space<vmem>>) semaphore(%arg11 : memref<!tpu.dma_semaphore, #tpu.memory_space<semaphore_mem>>) {add = true}
    %dma_start3A_65 = arith.constant 4096 : i32
    %dma_start3A_66 = tpu.memref_slice %arg7[%dma_start3A_65] : memref<8192xf32, #tpu.memory_space<vmem>> -> memref<1024xf32, #tpu.memory_space<vmem>>
    %dma_start3A_67 = arith.constant 4096 : i32
    %dma_start3A_68 = tpu.memref_slice %arg5[%dma_start3A_67] : memref<8192xi32, #tpu.memory_space<vmem>> -> memref<1024xi32, #tpu.memory_space<vmem>>
    %dma_start3A_69 = arith.constant 0 : i32
    %dma_start3A_70 = tpu.memref_slice %arg8[%dma_start3A_69] : memref<524288xf32, #tpu.memory_space<vmem_shared>> -> memref<524288xf32, #tpu.memory_space<vmem_shared>>
    tpu.enqueue_indirect_dma source(%dma_start3A_66 : memref<1024xf32, #tpu.memory_space<vmem>>) target(%dma_start3A_70 : memref<524288xf32, #tpu.memory_space<vmem_shared>>) offsets(%dma_start3A_68 : memref<1024xi32, #tpu.memory_space<vmem>>) semaphore(%arg11 : memref<!tpu.dma_semaphore, #tpu.memory_space<semaphore_mem>>) {add = true}
    %dma_start3A_71 = arith.constant 5120 : i32
    %dma_start3A_72 = tpu.memref_slice %arg7[%dma_start3A_71] : memref<8192xf32, #tpu.memory_space<vmem>> -> memref<1024xf32, #tpu.memory_space<vmem>>
    %dma_start3A_73 = arith.constant 5120 : i32
    %dma_start3A_74 = tpu.memref_slice %arg5[%dma_start3A_73] : memref<8192xi32, #tpu.memory_space<vmem>> -> memref<1024xi32, #tpu.memory_space<vmem>>
    %dma_start3A_75 = arith.constant 0 : i32
    %dma_start3A_76 = tpu.memref_slice %arg8[%dma_start3A_75] : memref<524288xf32, #tpu.memory_space<vmem_shared>> -> memref<524288xf32, #tpu.memory_space<vmem_shared>>
    tpu.enqueue_indirect_dma source(%dma_start3A_72 : memref<1024xf32, #tpu.memory_space<vmem>>) target(%dma_start3A_76 : memref<524288xf32, #tpu.memory_space<vmem_shared>>) offsets(%dma_start3A_74 : memref<1024xi32, #tpu.memory_space<vmem>>) semaphore(%arg11 : memref<!tpu.dma_semaphore, #tpu.memory_space<semaphore_mem>>) {add = true}
    %dma_start3A_77 = arith.constant 6144 : i32
    %dma_start3A_78 = tpu.memref_slice %arg7[%dma_start3A_77] : memref<8192xf32, #tpu.memory_space<vmem>> -> memref<1024xf32, #tpu.memory_space<vmem>>
    %dma_start3A_79 = arith.constant 6144 : i32
    %dma_start3A_80 = tpu.memref_slice %arg5[%dma_start3A_79] : memref<8192xi32, #tpu.memory_space<vmem>> -> memref<1024xi32, #tpu.memory_space<vmem>>
    %dma_start3A_81 = arith.constant 0 : i32
    %dma_start3A_82 = tpu.memref_slice %arg8[%dma_start3A_81] : memref<524288xf32, #tpu.memory_space<vmem_shared>> -> memref<524288xf32, #tpu.memory_space<vmem_shared>>
    tpu.enqueue_indirect_dma source(%dma_start3A_78 : memref<1024xf32, #tpu.memory_space<vmem>>) target(%dma_start3A_82 : memref<524288xf32, #tpu.memory_space<vmem_shared>>) offsets(%dma_start3A_80 : memref<1024xi32, #tpu.memory_space<vmem>>) semaphore(%arg11 : memref<!tpu.dma_semaphore, #tpu.memory_space<semaphore_mem>>) {add = true}
    %dma_start3A_83 = arith.constant 7168 : i32
    %dma_start3A_84 = tpu.memref_slice %arg7[%dma_start3A_83] : memref<8192xf32, #tpu.memory_space<vmem>> -> memref<1024xf32, #tpu.memory_space<vmem>>
    %dma_start3A_85 = arith.constant 7168 : i32
    %dma_start3A_86 = tpu.memref_slice %arg5[%dma_start3A_85] : memref<8192xi32, #tpu.memory_space<vmem>> -> memref<1024xi32, #tpu.memory_space<vmem>>
    %dma_start3A_87 = arith.constant 0 : i32
    %dma_start3A_88 = tpu.memref_slice %arg8[%dma_start3A_87] : memref<524288xf32, #tpu.memory_space<vmem_shared>> -> memref<524288xf32, #tpu.memory_space<vmem_shared>>
    tpu.enqueue_indirect_dma source(%dma_start3A_84 : memref<1024xf32, #tpu.memory_space<vmem>>) target(%dma_start3A_88 : memref<524288xf32, #tpu.memory_space<vmem_shared>>) offsets(%dma_start3A_86 : memref<1024xi32, #tpu.memory_space<vmem>>) semaphore(%arg11 : memref<!tpu.dma_semaphore, #tpu.memory_space<semaphore_mem>>) {add = true}
    %dma_wait3A_89 = arith.constant 0 : i32
    %dma_wait3A_90 = tpu.memref_slice %arg7[%dma_wait3A_89] : memref<8192xf32, #tpu.memory_space<vmem>> -> memref<1024xf32, #tpu.memory_space<vmem>>
    %dma_wait3A_91 = arith.constant 0 : i32
    %dma_wait3A_92 = tpu.memref_slice %arg5[%dma_wait3A_91] : memref<8192xi32, #tpu.memory_space<vmem>> -> memref<1024xi32, #tpu.memory_space<vmem>>
    %dma_wait3A_93 = arith.constant 0 : i32
    %dma_wait3A_94 = tpu.memref_slice %arg8[%dma_wait3A_93] : memref<524288xf32, #tpu.memory_space<vmem_shared>> -> memref<524288xf32, #tpu.memory_space<vmem_shared>>
    tpu.wait_indirect_dma semaphore(%arg11 : memref<!tpu.dma_semaphore, #tpu.memory_space<semaphore_mem>>) src(%dma_wait3A_90 : memref<1024xf32, #tpu.memory_space<vmem>>) dst(%dma_wait3A_94 : memref<524288xf32, #tpu.memory_space<vmem_shared>>)
    %dma_wait3A_95 = arith.constant 1024 : i32
    %dma_wait3A_96 = tpu.memref_slice %arg7[%dma_wait3A_95] : memref<8192xf32, #tpu.memory_space<vmem>> -> memref<1024xf32, #tpu.memory_space<vmem>>
    %dma_wait3A_97 = arith.constant 1024 : i32
    %dma_wait3A_98 = tpu.memref_slice %arg5[%dma_wait3A_97] : memref<8192xi32, #tpu.memory_space<vmem>> -> memref<1024xi32, #tpu.memory_space<vmem>>
    %dma_wait3A_99 = arith.constant 0 : i32
    %dma_wait3A_100 = tpu.memref_slice %arg8[%dma_wait3A_99] : memref<524288xf32, #tpu.memory_space<vmem_shared>> -> memref<524288xf32, #tpu.memory_space<vmem_shared>>
    tpu.wait_indirect_dma semaphore(%arg11 : memref<!tpu.dma_semaphore, #tpu.memory_space<semaphore_mem>>) src(%dma_wait3A_96 : memref<1024xf32, #tpu.memory_space<vmem>>) dst(%dma_wait3A_100 : memref<524288xf32, #tpu.memory_space<vmem_shared>>)
    %dma_wait3A_101 = arith.constant 2048 : i32
    %dma_wait3A_102 = tpu.memref_slice %arg7[%dma_wait3A_101] : memref<8192xf32, #tpu.memory_space<vmem>> -> memref<1024xf32, #tpu.memory_space<vmem>>
    %dma_wait3A_103 = arith.constant 2048 : i32
    %dma_wait3A_104 = tpu.memref_slice %arg5[%dma_wait3A_103] : memref<8192xi32, #tpu.memory_space<vmem>> -> memref<1024xi32, #tpu.memory_space<vmem>>
    %dma_wait3A_105 = arith.constant 0 : i32
    %dma_wait3A_106 = tpu.memref_slice %arg8[%dma_wait3A_105] : memref<524288xf32, #tpu.memory_space<vmem_shared>> -> memref<524288xf32, #tpu.memory_space<vmem_shared>>
    tpu.wait_indirect_dma semaphore(%arg11 : memref<!tpu.dma_semaphore, #tpu.memory_space<semaphore_mem>>) src(%dma_wait3A_102 : memref<1024xf32, #tpu.memory_space<vmem>>) dst(%dma_wait3A_106 : memref<524288xf32, #tpu.memory_space<vmem_shared>>)
    %dma_wait3A_107 = arith.constant 3072 : i32
    %dma_wait3A_108 = tpu.memref_slice %arg7[%dma_wait3A_107] : memref<8192xf32, #tpu.memory_space<vmem>> -> memref<1024xf32, #tpu.memory_space<vmem>>
    %dma_wait3A_109 = arith.constant 3072 : i32
    %dma_wait3A_110 = tpu.memref_slice %arg5[%dma_wait3A_109] : memref<8192xi32, #tpu.memory_space<vmem>> -> memref<1024xi32, #tpu.memory_space<vmem>>
    %dma_wait3A_111 = arith.constant 0 : i32
    %dma_wait3A_112 = tpu.memref_slice %arg8[%dma_wait3A_111] : memref<524288xf32, #tpu.memory_space<vmem_shared>> -> memref<524288xf32, #tpu.memory_space<vmem_shared>>
    tpu.wait_indirect_dma semaphore(%arg11 : memref<!tpu.dma_semaphore, #tpu.memory_space<semaphore_mem>>) src(%dma_wait3A_108 : memref<1024xf32, #tpu.memory_space<vmem>>) dst(%dma_wait3A_112 : memref<524288xf32, #tpu.memory_space<vmem_shared>>)
    %dma_wait3A_113 = arith.constant 4096 : i32
    %dma_wait3A_114 = tpu.memref_slice %arg7[%dma_wait3A_113] : memref<8192xf32, #tpu.memory_space<vmem>> -> memref<1024xf32, #tpu.memory_space<vmem>>
    %dma_wait3A_115 = arith.constant 4096 : i32
    %dma_wait3A_116 = tpu.memref_slice %arg5[%dma_wait3A_115] : memref<8192xi32, #tpu.memory_space<vmem>> -> memref<1024xi32, #tpu.memory_space<vmem>>
    %dma_wait3A_117 = arith.constant 0 : i32
    %dma_wait3A_118 = tpu.memref_slice %arg8[%dma_wait3A_117] : memref<524288xf32, #tpu.memory_space<vmem_shared>> -> memref<524288xf32, #tpu.memory_space<vmem_shared>>
    tpu.wait_indirect_dma semaphore(%arg11 : memref<!tpu.dma_semaphore, #tpu.memory_space<semaphore_mem>>) src(%dma_wait3A_114 : memref<1024xf32, #tpu.memory_space<vmem>>) dst(%dma_wait3A_118 : memref<524288xf32, #tpu.memory_space<vmem_shared>>)
    %dma_wait3A_119 = arith.constant 5120 : i32
    %dma_wait3A_120 = tpu.memref_slice %arg7[%dma_wait3A_119] : memref<8192xf32, #tpu.memory_space<vmem>> -> memref<1024xf32, #tpu.memory_space<vmem>>
    %dma_wait3A_121 = arith.constant 5120 : i32
    %dma_wait3A_122 = tpu.memref_slice %arg5[%dma_wait3A_121] : memref<8192xi32, #tpu.memory_space<vmem>> -> memref<1024xi32, #tpu.memory_space<vmem>>
    %dma_wait3A_123 = arith.constant 0 : i32
    %dma_wait3A_124 = tpu.memref_slice %arg8[%dma_wait3A_123] : memref<524288xf32, #tpu.memory_space<vmem_shared>> -> memref<524288xf32, #tpu.memory_space<vmem_shared>>
    tpu.wait_indirect_dma semaphore(%arg11 : memref<!tpu.dma_semaphore, #tpu.memory_space<semaphore_mem>>) src(%dma_wait3A_120 : memref<1024xf32, #tpu.memory_space<vmem>>) dst(%dma_wait3A_124 : memref<524288xf32, #tpu.memory_space<vmem_shared>>)
    %dma_wait3A_125 = arith.constant 6144 : i32
    %dma_wait3A_126 = tpu.memref_slice %arg7[%dma_wait3A_125] : memref<8192xf32, #tpu.memory_space<vmem>> -> memref<1024xf32, #tpu.memory_space<vmem>>
    %dma_wait3A_127 = arith.constant 6144 : i32
    %dma_wait3A_128 = tpu.memref_slice %arg5[%dma_wait3A_127] : memref<8192xi32, #tpu.memory_space<vmem>> -> memref<1024xi32, #tpu.memory_space<vmem>>
    %dma_wait3A_129 = arith.constant 0 : i32
    %dma_wait3A_130 = tpu.memref_slice %arg8[%dma_wait3A_129] : memref<524288xf32, #tpu.memory_space<vmem_shared>> -> memref<524288xf32, #tpu.memory_space<vmem_shared>>
    tpu.wait_indirect_dma semaphore(%arg11 : memref<!tpu.dma_semaphore, #tpu.memory_space<semaphore_mem>>) src(%dma_wait3A_126 : memref<1024xf32, #tpu.memory_space<vmem>>) dst(%dma_wait3A_130 : memref<524288xf32, #tpu.memory_space<vmem_shared>>)
    %dma_wait3A_131 = arith.constant 7168 : i32
    %dma_wait3A_132 = tpu.memref_slice %arg7[%dma_wait3A_131] : memref<8192xf32, #tpu.memory_space<vmem>> -> memref<1024xf32, #tpu.memory_space<vmem>>
    %dma_wait3A_133 = arith.constant 7168 : i32
    %dma_wait3A_134 = tpu.memref_slice %arg5[%dma_wait3A_133] : memref<8192xi32, #tpu.memory_space<vmem>> -> memref<1024xi32, #tpu.memory_space<vmem>>
    %dma_wait3A_135 = arith.constant 0 : i32
    %dma_wait3A_136 = tpu.memref_slice %arg8[%dma_wait3A_135] : memref<524288xf32, #tpu.memory_space<vmem_shared>> -> memref<524288xf32, #tpu.memory_space<vmem_shared>>
    tpu.wait_indirect_dma semaphore(%arg11 : memref<!tpu.dma_semaphore, #tpu.memory_space<semaphore_mem>>) src(%dma_wait3A_132 : memref<1024xf32, #tpu.memory_space<vmem>>) dst(%dma_wait3A_136 : memref<524288xf32, #tpu.memory_space<vmem_shared>>)
    %barrier3A_137 = arith.constant 0 : index
    tpu.barrier barrier_id(%barrier3A_137)
    %mul3A_138 = arith.constant 32768 : i32
    %mul3A_139 = arith.muli %arg1, %mul3A_138 : i32
    %mul3A_140 = arith.constant 524288 : i32
    %mul3A_141 = arith.muli %arg0, %mul3A_140 : i32
    %mul3A_142 = arith.constant 32768 : i32
    %mul3A_143 = arith.muli %arg1, %mul3A_142 : i32
    %add3A_144 = arith.addi %mul3A_141, %mul3A_143 : i32
    "tpu.region"() ({
      %run_scoped3A = tpu.sem_alloc : memref<!tpu.dma_semaphore, #tpu.memory_space<semaphore_mem>>
      %dma_start3A_145 = tpu.memref_slice %arg4[%add3A_144] : memref<1048576xf32, #tpu.memory_space<hbm>> -> memref<32768xf32, #tpu.memory_space<hbm>>
      %dma_start3A_146 = tpu.memref_slice %arg8[%mul3A_139] : memref<524288xf32, #tpu.memory_space<vmem_shared>> -> memref<32768xf32, #tpu.memory_space<vmem_shared>>
      tpu.enqueue_dma source(%dma_start3A_146 : memref<32768xf32, #tpu.memory_space<vmem_shared>>) target(%dma_start3A_145 : memref<32768xf32, #tpu.memory_space<hbm>>) target_semaphore(%run_scoped3A : memref<!tpu.dma_semaphore, #tpu.memory_space<semaphore_mem>>)
      %dma_wait3A_147 = tpu.memref_slice %arg4[%add3A_144] : memref<1048576xf32, #tpu.memory_space<hbm>> -> memref<32768xf32, #tpu.memory_space<hbm>>
      %dma_wait3A_148 = tpu.memref_slice %arg8[%mul3A_139] : memref<524288xf32, #tpu.memory_space<vmem_shared>> -> memref<32768xf32, #tpu.memory_space<vmem_shared>>
      tpu.wait_dma2 semaphore(%run_scoped3A : memref<!tpu.dma_semaphore, #tpu.memory_space<semaphore_mem>>) src(%dma_wait3A_148 : memref<32768xf32, #tpu.memory_space<vmem_shared>>) dst(%dma_wait3A_147 : memref<32768xf32, #tpu.memory_space<hbm>>)
      tpu.yield
    }) : () -> ()
    return
  }
}

module attributes {stable_mosaic.version = 14 : i64} {
  func.func @_fit_body(%arg0: memref<8192x128xf32, #tpu.memory_space<vmem>>, %arg1: memref<4096x1xf32, #tpu.memory_space<vmem>>, %arg2: memref<32x128xf32, #tpu.memory_space<vmem>>) attributes {dimension_semantics = [], scalar_prefetch = 0 : i64, scratch_operands = 0 : i64, tpu.core_type = #tpu.core_type<tc>} {
    %get3A = arith.constant 0 : index
    %get3A_0 = arith.constant 0 : index
    %get3A_1 = vector.load %arg0[%get3A, %get3A_0] : memref<8192x128xf32, #tpu.memory_space<vmem>>, vector<4096x128xf32>
    %get3A_2 = arith.constant 4096 : index
    %get3A_3 = arith.constant 0 : index
    %get3A_4 = vector.load %arg0[%get3A_2, %get3A_3] : memref<8192x128xf32, #tpu.memory_space<vmem>>, vector<4096x128xf32>
    %add3A = arith.addf %get3A_1, %get3A_4 : vector<4096x128xf32>
    %get3A_5 = arith.constant 0 : index
    %get3A_6 = arith.constant 0 : index
    %get3A_7 = vector.load %arg1[%get3A_5, %get3A_6] : memref<4096x1xf32, #tpu.memory_space<vmem>>, vector<4096x1xf32>
    %dot_general3A = arith.constant dense<0.000000e+00> : vector<128x128xf32>
    %dot_general3A_8 = tpu.matmul %add3A, %add3A, %dot_general3A {dimension_numbers = #tpu.dot_dimension_numbers<[0], [0], [1], [1], [0, 1, 1, 1], [], []>, transpose_lhs_hint = false} : vector<4096x128xf32>, vector<4096x128xf32>, vector<128x128xf32> -> vector<128x128xf32>
    %dot_general3A_9 = arith.constant dense<0.000000e+00> : vector<128x1xf32>
    %dot_general3A_10 = tpu.matmul %add3A, %get3A_7, %dot_general3A_9 {dimension_numbers = #tpu.dot_dimension_numbers<[0], [0], [1], [1], [0, 1, 1, 1], [], []>, transpose_lhs_hint = false} : vector<4096x128xf32>, vector<4096x1xf32>, vector<128x1xf32> -> vector<128x1xf32>
    %abs3A = math.absf %dot_general3A_8 : vector<128x128xf32>
    %reduce_sum3A = arith.constant dense<0.000000e+00> : vector<128xf32>
    %reduce_sum3A_11 = vector.multi_reduction <add>, %abs3A, %reduce_sum3A [1] : vector<128x128xf32> to vector<128xf32>
    %reduce_max3A = vector.shape_cast %reduce_sum3A_11 : vector<128xf32> to vector<1x128xf32>
    %reduce_max3A_12 = arith.constant dense<0xFF800000> : vector<1xf32>
    %reduce_max3A_13 = vector.multi_reduction <maximumf>, %reduce_max3A, %reduce_max3A_12 [1] : vector<1x128xf32> to vector<1xf32>
    %reduce_max3A_14 = vector.shape_cast %reduce_max3A_13 : vector<1xf32> to vector<1x1xf32>
    %reduce_max3A_15 = vector.extract %reduce_max3A_14[0, 0] : f32 from vector<1x1xf32>
    %mul3A = arith.mulf %reduce_max3A_15, %reduce_max3A_15 : f32
    %div3A = arith.constant 1.000000e+00 : f32
    %div3A_16 = arith.divf %div3A, %mul3A : f32
    %iota3A = tpu.iota {dimensions = array<i32: 0>} : vector<128x256xi32>
    %iota3A_17 = tpu.iota {dimensions = array<i32: 1>} : vector<128x256xi32>
    %eq3A = arith.cmpi eq, %iota3A, %iota3A_17 : vector<128x256xi32>
    %jit3A = arith.constant 1.000000e+00 : f32
    %jit3A_18 = arith.constant 0.000000e+00 : f32
    %broadcast_in_dim3A = vector.broadcast %jit3A : f32 to vector<128x256xf32>
    %broadcast_in_dim3A_19 = vector.broadcast %jit3A_18 : f32 to vector<128x256xf32>
    %select_n3A = arith.select %eq3A, %broadcast_in_dim3A, %broadcast_in_dim3A_19 : vector<128x256xi1>, vector<128x256xf32>
    %eq3A_20 = arith.constant 128 : i32
    %eq3A_21 = vector.broadcast %eq3A_20 : i32 to vector<128x256xi32>
    %eq3A_22 = arith.cmpi eq, %iota3A_17, %eq3A_21 : vector<128x256xi32>
    %jit3A_23 = arith.constant 1.000000e+00 : f32
    %jit3A_24 = arith.constant 0.000000e+00 : f32
    %broadcast_in_dim3A_25 = vector.broadcast %jit3A_23 : f32 to vector<128x256xf32>
    %broadcast_in_dim3A_26 = vector.broadcast %jit3A_24 : f32 to vector<128x256xf32>
    %select_n3A_27 = arith.select %eq3A_22, %broadcast_in_dim3A_25, %broadcast_in_dim3A_26 : vector<128x256xi1>, vector<128x256xf32>
    %lt3A = arith.constant 128 : i32
    %lt3A_28 = vector.broadcast %lt3A : i32 to vector<128x256xi32>
    %lt3A_29 = arith.cmpi slt, %iota3A_17, %lt3A_28 : vector<128x256xi32>
    %jit3A_30 = arith.constant 1.000000e+00 : f32
    %jit3A_31 = arith.constant 0.000000e+00 : f32
    %broadcast_in_dim3A_32 = vector.broadcast %jit3A_30 : f32 to vector<128x256xf32>
    %broadcast_in_dim3A_33 = vector.broadcast %jit3A_31 : f32 to vector<128x256xf32>
    %select_n3A_34 = arith.select %lt3A_29, %broadcast_in_dim3A_32, %broadcast_in_dim3A_33 : vector<128x256xi1>, vector<128x256xf32>
    %sub3A = arith.subf %select_n3A_27, %select_n3A_34 : vector<128x256xf32>
    %broadcast_in_dim3A_35 = arith.constant 0.000000e+00 : f32
    %broadcast_in_dim3A_36 = vector.broadcast %broadcast_in_dim3A_35 : f32 to vector<128x127xf32>
    %concatenate3A = tpu.concatenate %dot_general3A_8, %dot_general3A_10, %broadcast_in_dim3A_36 in 1 : vector<128x128xf32>, vector<128x1xf32>, vector<128x127xf32> -> vector<128x256xf32>
    %mul3A_37 = vector.broadcast %div3A_16 : f32 to vector<128x256xf32>
    %mul3A_38 = arith.mulf %concatenate3A, %mul3A_37 : vector<128x256xf32>
    %dot_general3A_39 = arith.constant dense<0.000000e+00> : vector<128x256xf32>
    %dot_general3A_40 = tpu.matmul %dot_general3A_8, %mul3A_38, %dot_general3A_39 {dimension_numbers = #tpu.dot_dimension_numbers<[1], [0], [0], [1], [0, 0, 1, 1], [], []>, transpose_lhs_hint = false} : vector<128x128xf32>, vector<128x256xf32>, vector<128x256xf32> -> vector<128x256xf32>
    %mul3A_41 = arith.mulf %sub3A, %dot_general3A_40 : vector<128x256xf32>
    %add3A_42 = arith.addf %select_n3A, %mul3A_41 : vector<128x256xf32>
    %slice3A = vector.extract_strided_slice %add3A_42 {offsets = [0, 0], sizes = [128, 128], strides = [1, 1]} : vector<128x256xf32> to vector<128x128xf32>
    %dot_general3A_43 = arith.constant dense<0.000000e+00> : vector<128x256xf32>
    %dot_general3A_44 = tpu.matmul %slice3A, %add3A_42, %dot_general3A_43 {dimension_numbers = #tpu.dot_dimension_numbers<[1], [0], [0], [1], [0, 0, 1, 1], [], []>, transpose_lhs_hint = false} : vector<128x128xf32>, vector<128x256xf32>, vector<128x256xf32> -> vector<128x256xf32>
    %mul3A_45 = arith.mulf %add3A_42, %select_n3A_27 : vector<128x256xf32>
    %add3A_46 = arith.addf %dot_general3A_44, %mul3A_45 : vector<128x256xf32>
    %slice3A_47 = vector.extract_strided_slice %add3A_46 {offsets = [0, 0], sizes = [128, 128], strides = [1, 1]} : vector<128x256xf32> to vector<128x128xf32>
    %dot_general3A_48 = arith.constant dense<0.000000e+00> : vector<128x256xf32>
    %dot_general3A_49 = tpu.matmul %slice3A_47, %add3A_46, %dot_general3A_48 {dimension_numbers = #tpu.dot_dimension_numbers<[1], [0], [0], [1], [0, 0, 1, 1], [], []>, transpose_lhs_hint = false} : vector<128x128xf32>, vector<128x256xf32>, vector<128x256xf32> -> vector<128x256xf32>
    %mul3A_50 = arith.mulf %add3A_46, %select_n3A_27 : vector<128x256xf32>
    %add3A_51 = arith.addf %dot_general3A_49, %mul3A_50 : vector<128x256xf32>
    %slice3A_52 = vector.extract_strided_slice %add3A_51 {offsets = [0, 0], sizes = [128, 128], strides = [1, 1]} : vector<128x256xf32> to vector<128x128xf32>
    %dot_general3A_53 = arith.constant dense<0.000000e+00> : vector<128x256xf32>
    %dot_general3A_54 = tpu.matmul %slice3A_52, %add3A_51, %dot_general3A_53 {dimension_numbers = #tpu.dot_dimension_numbers<[1], [0], [0], [1], [0, 0, 1, 1], [], []>, transpose_lhs_hint = false} : vector<128x128xf32>, vector<128x256xf32>, vector<128x256xf32> -> vector<128x256xf32>
    %mul3A_55 = arith.mulf %add3A_51, %select_n3A_27 : vector<128x256xf32>
    %add3A_56 = arith.addf %dot_general3A_54, %mul3A_55 : vector<128x256xf32>
    %slice3A_57 = vector.extract_strided_slice %add3A_56 {offsets = [0, 0], sizes = [128, 128], strides = [1, 1]} : vector<128x256xf32> to vector<128x128xf32>
    %dot_general3A_58 = arith.constant dense<0.000000e+00> : vector<128x256xf32>
    %dot_general3A_59 = tpu.matmul %slice3A_57, %add3A_56, %dot_general3A_58 {dimension_numbers = #tpu.dot_dimension_numbers<[1], [0], [0], [1], [0, 0, 1, 1], [], []>, transpose_lhs_hint = false} : vector<128x128xf32>, vector<128x256xf32>, vector<128x256xf32> -> vector<128x256xf32>
    %mul3A_60 = arith.mulf %add3A_56, %select_n3A_27 : vector<128x256xf32>
    %add3A_61 = arith.addf %dot_general3A_59, %mul3A_60 : vector<128x256xf32>
    %slice3A_62 = vector.extract_strided_slice %add3A_61 {offsets = [0, 0], sizes = [128, 128], strides = [1, 1]} : vector<128x256xf32> to vector<128x128xf32>
    %dot_general3A_63 = arith.constant dense<0.000000e+00> : vector<128x256xf32>
    %dot_general3A_64 = tpu.matmul %slice3A_62, %add3A_61, %dot_general3A_63 {dimension_numbers = #tpu.dot_dimension_numbers<[1], [0], [0], [1], [0, 0, 1, 1], [], []>, transpose_lhs_hint = false} : vector<128x128xf32>, vector<128x256xf32>, vector<128x256xf32> -> vector<128x256xf32>
    %mul3A_65 = arith.mulf %add3A_61, %select_n3A_27 : vector<128x256xf32>
    %add3A_66 = arith.addf %dot_general3A_64, %mul3A_65 : vector<128x256xf32>
    %slice3A_67 = vector.extract_strided_slice %add3A_66 {offsets = [0, 0], sizes = [128, 128], strides = [1, 1]} : vector<128x256xf32> to vector<128x128xf32>
    %dot_general3A_68 = arith.constant dense<0.000000e+00> : vector<128x256xf32>
    %dot_general3A_69 = tpu.matmul %slice3A_67, %add3A_66, %dot_general3A_68 {dimension_numbers = #tpu.dot_dimension_numbers<[1], [0], [0], [1], [0, 0, 1, 1], [], []>, transpose_lhs_hint = false} : vector<128x128xf32>, vector<128x256xf32>, vector<128x256xf32> -> vector<128x256xf32>
    %mul3A_70 = arith.mulf %add3A_66, %select_n3A_27 : vector<128x256xf32>
    %add3A_71 = arith.addf %dot_general3A_69, %mul3A_70 : vector<128x256xf32>
    %slice3A_72 = vector.extract_strided_slice %add3A_71 {offsets = [0, 0], sizes = [128, 128], strides = [1, 1]} : vector<128x256xf32> to vector<128x128xf32>
    %dot_general3A_73 = arith.constant dense<0.000000e+00> : vector<128x256xf32>
    %dot_general3A_74 = tpu.matmul %slice3A_72, %add3A_71, %dot_general3A_73 {dimension_numbers = #tpu.dot_dimension_numbers<[1], [0], [0], [1], [0, 0, 1, 1], [], []>, transpose_lhs_hint = false} : vector<128x128xf32>, vector<128x256xf32>, vector<128x256xf32> -> vector<128x256xf32>
    %mul3A_75 = arith.mulf %add3A_71, %select_n3A_27 : vector<128x256xf32>
    %add3A_76 = arith.addf %dot_general3A_74, %mul3A_75 : vector<128x256xf32>
    %slice3A_77 = vector.extract_strided_slice %add3A_76 {offsets = [0, 0], sizes = [128, 128], strides = [1, 1]} : vector<128x256xf32> to vector<128x128xf32>
    %dot_general3A_78 = arith.constant dense<0.000000e+00> : vector<128x256xf32>
    %dot_general3A_79 = tpu.matmul %slice3A_77, %add3A_76, %dot_general3A_78 {dimension_numbers = #tpu.dot_dimension_numbers<[1], [0], [0], [1], [0, 0, 1, 1], [], []>, transpose_lhs_hint = false} : vector<128x128xf32>, vector<128x256xf32>, vector<128x256xf32> -> vector<128x256xf32>
    %mul3A_80 = arith.mulf %add3A_76, %select_n3A_27 : vector<128x256xf32>
    %add3A_81 = arith.addf %dot_general3A_79, %mul3A_80 : vector<128x256xf32>
    %slice3A_82 = vector.extract_strided_slice %add3A_81 {offsets = [0, 0], sizes = [128, 128], strides = [1, 1]} : vector<128x256xf32> to vector<128x128xf32>
    %dot_general3A_83 = arith.constant dense<0.000000e+00> : vector<128x256xf32>
    %dot_general3A_84 = tpu.matmul %slice3A_82, %add3A_81, %dot_general3A_83 {dimension_numbers = #tpu.dot_dimension_numbers<[1], [0], [0], [1], [0, 0, 1, 1], [], []>, transpose_lhs_hint = false} : vector<128x128xf32>, vector<128x256xf32>, vector<128x256xf32> -> vector<128x256xf32>
    %mul3A_85 = arith.mulf %add3A_81, %select_n3A_27 : vector<128x256xf32>
    %add3A_86 = arith.addf %dot_general3A_84, %mul3A_85 : vector<128x256xf32>
    %slice3A_87 = vector.extract_strided_slice %add3A_86 {offsets = [0, 0], sizes = [128, 128], strides = [1, 1]} : vector<128x256xf32> to vector<128x128xf32>
    %dot_general3A_88 = arith.constant dense<0.000000e+00> : vector<128x256xf32>
    %dot_general3A_89 = tpu.matmul %slice3A_87, %add3A_86, %dot_general3A_88 {dimension_numbers = #tpu.dot_dimension_numbers<[1], [0], [0], [1], [0, 0, 1, 1], [], []>, transpose_lhs_hint = false} : vector<128x128xf32>, vector<128x256xf32>, vector<128x256xf32> -> vector<128x256xf32>
    %mul3A_90 = arith.mulf %add3A_86, %select_n3A_27 : vector<128x256xf32>
    %add3A_91 = arith.addf %dot_general3A_89, %mul3A_90 : vector<128x256xf32>
    %slice3A_92 = vector.extract_strided_slice %add3A_91 {offsets = [0, 0], sizes = [128, 128], strides = [1, 1]} : vector<128x256xf32> to vector<128x128xf32>
    %dot_general3A_93 = arith.constant dense<0.000000e+00> : vector<128x256xf32>
    %dot_general3A_94 = tpu.matmul %slice3A_92, %add3A_91, %dot_general3A_93 {dimension_numbers = #tpu.dot_dimension_numbers<[1], [0], [0], [1], [0, 0, 1, 1], [], []>, transpose_lhs_hint = false} : vector<128x128xf32>, vector<128x256xf32>, vector<128x256xf32> -> vector<128x256xf32>
    %mul3A_95 = arith.mulf %add3A_91, %select_n3A_27 : vector<128x256xf32>
    %add3A_96 = arith.addf %dot_general3A_94, %mul3A_95 : vector<128x256xf32>
    %slice3A_97 = vector.extract_strided_slice %add3A_96 {offsets = [0, 0], sizes = [128, 128], strides = [1, 1]} : vector<128x256xf32> to vector<128x128xf32>
    %dot_general3A_98 = arith.constant dense<0.000000e+00> : vector<128x256xf32>
    %dot_general3A_99 = tpu.matmul %slice3A_97, %add3A_96, %dot_general3A_98 {dimension_numbers = #tpu.dot_dimension_numbers<[1], [0], [0], [1], [0, 0, 1, 1], [], []>, transpose_lhs_hint = false} : vector<128x128xf32>, vector<128x256xf32>, vector<128x256xf32> -> vector<128x256xf32>
    %mul3A_100 = arith.mulf %add3A_96, %select_n3A_27 : vector<128x256xf32>
    %add3A_101 = arith.addf %dot_general3A_99, %mul3A_100 : vector<128x256xf32>
    %slice3A_102 = vector.extract_strided_slice %add3A_101 {offsets = [0, 0], sizes = [128, 128], strides = [1, 1]} : vector<128x256xf32> to vector<128x128xf32>
    %dot_general3A_103 = arith.constant dense<0.000000e+00> : vector<128x256xf32>
    %dot_general3A_104 = tpu.matmul %slice3A_102, %add3A_101, %dot_general3A_103 {dimension_numbers = #tpu.dot_dimension_numbers<[1], [0], [0], [1], [0, 0, 1, 1], [], []>, transpose_lhs_hint = false} : vector<128x128xf32>, vector<128x256xf32>, vector<128x256xf32> -> vector<128x256xf32>
    %mul3A_105 = arith.mulf %add3A_101, %select_n3A_27 : vector<128x256xf32>
    %add3A_106 = arith.addf %dot_general3A_104, %mul3A_105 : vector<128x256xf32>
    %slice3A_107 = vector.extract_strided_slice %add3A_106 {offsets = [0, 0], sizes = [128, 128], strides = [1, 1]} : vector<128x256xf32> to vector<128x128xf32>
    %dot_general3A_108 = arith.constant dense<0.000000e+00> : vector<128x256xf32>
    %dot_general3A_109 = tpu.matmul %slice3A_107, %add3A_106, %dot_general3A_108 {dimension_numbers = #tpu.dot_dimension_numbers<[1], [0], [0], [1], [0, 0, 1, 1], [], []>, transpose_lhs_hint = false} : vector<128x128xf32>, vector<128x256xf32>, vector<128x256xf32> -> vector<128x256xf32>
    %mul3A_110 = arith.mulf %add3A_106, %select_n3A_27 : vector<128x256xf32>
    %add3A_111 = arith.addf %dot_general3A_109, %mul3A_110 : vector<128x256xf32>
    %slice3A_112 = vector.extract_strided_slice %add3A_111 {offsets = [0, 0], sizes = [128, 128], strides = [1, 1]} : vector<128x256xf32> to vector<128x128xf32>
    %dot_general3A_113 = arith.constant dense<0.000000e+00> : vector<128x256xf32>
    %dot_general3A_114 = tpu.matmul %slice3A_112, %add3A_111, %dot_general3A_113 {dimension_numbers = #tpu.dot_dimension_numbers<[1], [0], [0], [1], [0, 0, 1, 1], [], []>, transpose_lhs_hint = false} : vector<128x128xf32>, vector<128x256xf32>, vector<128x256xf32> -> vector<128x256xf32>
    %mul3A_115 = arith.mulf %add3A_111, %select_n3A_27 : vector<128x256xf32>
    %add3A_116 = arith.addf %dot_general3A_114, %mul3A_115 : vector<128x256xf32>
    %slice3A_117 = vector.extract_strided_slice %add3A_116 {offsets = [0, 0], sizes = [128, 128], strides = [1, 1]} : vector<128x256xf32> to vector<128x128xf32>
    %dot_general3A_118 = arith.constant dense<0.000000e+00> : vector<128x256xf32>
    %dot_general3A_119 = tpu.matmul %slice3A_117, %add3A_116, %dot_general3A_118 {dimension_numbers = #tpu.dot_dimension_numbers<[1], [0], [0], [1], [0, 0, 1, 1], [], []>, transpose_lhs_hint = false} : vector<128x128xf32>, vector<128x256xf32>, vector<128x256xf32> -> vector<128x256xf32>
    %mul3A_120 = arith.mulf %add3A_116, %select_n3A_27 : vector<128x256xf32>
    %add3A_121 = arith.addf %dot_general3A_119, %mul3A_120 : vector<128x256xf32>
    %slice3A_122 = vector.extract_strided_slice %add3A_121 {offsets = [0, 0], sizes = [128, 128], strides = [1, 1]} : vector<128x256xf32> to vector<128x128xf32>
    %dot_general3A_123 = arith.constant dense<0.000000e+00> : vector<128x256xf32>
    %dot_general3A_124 = tpu.matmul %slice3A_122, %add3A_121, %dot_general3A_123 {dimension_numbers = #tpu.dot_dimension_numbers<[1], [0], [0], [1], [0, 0, 1, 1], [], []>, transpose_lhs_hint = false} : vector<128x128xf32>, vector<128x256xf32>, vector<128x256xf32> -> vector<128x256xf32>
    %mul3A_125 = arith.mulf %add3A_121, %select_n3A_27 : vector<128x256xf32>
    %add3A_126 = arith.addf %dot_general3A_124, %mul3A_125 : vector<128x256xf32>
    %slice3A_127 = vector.extract_strided_slice %add3A_126 {offsets = [0, 0], sizes = [128, 128], strides = [1, 1]} : vector<128x256xf32> to vector<128x128xf32>
    %dot_general3A_128 = arith.constant dense<0.000000e+00> : vector<128x256xf32>
    %dot_general3A_129 = tpu.matmul %slice3A_127, %add3A_126, %dot_general3A_128 {dimension_numbers = #tpu.dot_dimension_numbers<[1], [0], [0], [1], [0, 0, 1, 1], [], []>, transpose_lhs_hint = false} : vector<128x128xf32>, vector<128x256xf32>, vector<128x256xf32> -> vector<128x256xf32>
    %mul3A_130 = arith.mulf %add3A_126, %select_n3A_27 : vector<128x256xf32>
    %add3A_131 = arith.addf %dot_general3A_129, %mul3A_130 : vector<128x256xf32>
    %slice3A_132 = vector.extract_strided_slice %add3A_131 {offsets = [0, 128], sizes = [128, 1], strides = [1, 1]} : vector<128x256xf32> to vector<128x1xf32>
    %dot_general3A_133 = arith.constant dense<0.000000e+00> : vector<4096x1xf32>
    %dot_general3A_134 = tpu.matmul %add3A, %slice3A_132, %dot_general3A_133 {dimension_numbers = #tpu.dot_dimension_numbers<[1], [0], [0], [1], [0, 0, 1, 1], [], []>, transpose_lhs_hint = false} : vector<4096x128xf32>, vector<128x1xf32>, vector<4096x1xf32> -> vector<4096x1xf32>
    %sub3A_135 = arith.subf %get3A_7, %dot_general3A_134 : vector<4096x1xf32>
    %reshape3A = vector.shape_cast %sub3A_135 : vector<4096x1xf32> to vector<32x128xf32>
    %swap3A = arith.constant 0 : index
    %swap3A_136 = arith.constant 0 : index
    %swap3A_137 = vector.load %arg2[%swap3A, %swap3A_136] : memref<32x128xf32, #tpu.memory_space<vmem>>, vector<32x128xf32>
    tpu.vector_store %arg2[%swap3A, %swap3A_136], %reshape3A {strides = array<i32>} : memref<32x128xf32, #tpu.memory_space<vmem>>, vector<32x128xf32>,
    return
  }
}

</mosaic_0001>

<sc_bundles>
// kernel: kernel.4.cloned.1.call-start
scs
__scs_entry_jumppad:
0x0: {  	(pc) =	sbr.rel $0x88, $3  }
0x1: {  	(tag) =	ssettag $0x0;
	lr =	simm.s32 $0x1  }
0x2: {  	[smem:$0x3F9E] =	sst lr;
	_ =	strace $0xD0000000  }
0x3: {  	_ = 	snop  }
0x4: {  	_ = 	snop  }
0x5: {  	_ = 	snop  }
0x6: {  	_ = 	snop  }
0x7: {  	_ = 	snop  }
__scs_overlays_trampoline_lowered:
0x8: {  	[smem:$0x3FAD] =	sst s0  }
0x9: {  	[smem:$0x3FAE] =	sst s1  }
0xa: {  	[smem:$0x3FAF] =	sst s2  }
0xb: {  	[smem:$0x3FB0] =	sst s3  }
0xc: {  	[smem:$0x3FB1] =	sst s4  }
0xd: {  	[smem:$0x3FB2] =	sst s5  }
0xe: {  	[smem:$0x3FB3] =	sst s6  }
0xf: {  	[smem:$0x3FB4] =	sst s7  }
0x10: {  	[smem:$0x3FB5] =	sst s8  }
0x11: {  	[smem:$0x3FB6] =	sst s9;
	s0 =	simm.s32 @!p0 $0x0  }
0x12: {  	s1 =	sld [smem:$0x3F9C];
	s0 =	simm.s32 @p0 $0x1  }
0x13: {  	[smem:$0x3FB7] =	sst s0;
	s0 =	simm.s32 @!p1 $0x0  }
0x14: {  	s2 =	sld [smem:$0x3F9B];
	s0 =	simm.s32 @p1 $0x1  }
0x15: {  	[smem:$0x3FB8] =	sst s0;
	s0 =	simm.s32 @!p2 $0x0  }
0x16: {  	s3 =	sld [smem:$0x3FDB];
	s0 =	simm.s32 @p2 $0x1  }
0x17: {  	s4 =	simm.s32 $0x1BF5;
	[smem:$0x3FBA] =	sst s0  }
0x18: {  	s0 =	sld [smem:$0x3F9D];
	_ =	swait.ge [sflag:s4], $0x0  }
0x19: {  	s7 =	sld [smem:$0x3F9E]  }
0x1a: {  	s8 =	sadd.s32 $0xFFFFE003, lr  }
0x1b: {  	s9 =	sadd.s32 $0xFFFFFEF7, lr;
	s5 =	simm.s32 $0xFFFFFFFF;
	p2 =	slt.u32 s8, $0xFFFFF086  }
0x1c: {  	p1 =	slt.u32 s9, $0xF7A;
	s5 =	simm.s32 @!p2 $0x0  }
0x1d: {  	s5 =	simm.s32 @p1 $0x1;
	p0 =	seq.s32 s7, s2  }
0x1e: {  	s7 =	smul.u32 @!p0 $0xF7A, s2;
	p2 =	seq.s32 @!p0 s5, $0x0  }
0x1f: {  	s9 =	smul.u32 $0xF7A, s1;
	s8 =	simm.s32 @!p0 $0x1BF5;
	p2 =	por !p2, p0  }
0x20: {  	[sflag:s8] =	ssyncset.s32 @!p0 $0xFFFFF086;
	s6 =	sadd.s32 @!p0 s3, s7;
	s7 =	simm.s32 @!p0 $0x108  }
0x21: {  	s3 =	sadd.s32 s3, s9;
	s6 =	sadd.s32 @!p0 $0x88, s6;
	s7 =	simm.s32 @p2 $0x1082  }
0x22: {  	[simem:s7], [sflag:s8] =	dma.local @!p0 [hbm:s6], $0xF7A  }
0x23: {  	s9 =	sor.u32 $0xD0000000, s2;
	s6 =	simm.s32 $0x108;
	_ =	swait.ge @!p0 [sflag:s8], $0x0  }
0x24: {  	s3 =	sadd.s32 $0x88, s3;
	s6 =	simm.s32 @!p1 $0x1082;
	[sflag:s4] =	ssyncset.s32 $0xFFFFF086  }
0x25: {  	[simem:s6], [sflag:s4] =	dma.local [hbm:s3], $0xF7A  }
0x26: {  	[smem:$0x3F9E] =	sst s1;
	(tag) =	ssettag s2;
	_ =	strace s9  }
0x27: {  	s1 =	sld [smem:$0x3FAE]  }
0x28: {  	s2 =	sld [smem:$0x3FAF]  }
0x29: {  	s4 =	sld [smem:$0x3FB1]  }
0x2a: {  	p0 =	seq.s32 s5, $0x0;
	s5 =	sld [smem:$0x3FB2]  }
0x2b: {  	s6 =	sld [smem:$0x3FB3]  }
0x2c: {  	s7 =	sld [smem:$0x3FB4]  }
0x2d: {  	s3 =	simm.s32 $0x108;
	s8 =	sld [smem:$0x3FB5]  }
0x2e: {  	s3 =	simm.s32 @!p0 $0x1082;
	s9 =	sld [smem:$0x3FB6]  }
0x2f: {  	lr =	sadd.s32 s0, s3;
	s0 =	sld [smem:$0x3FAD]  }
0x30: {  	s3 =	sld [smem:$0x3FB0]  }
0x31: {  	[smem:$0x3FB9] =	sst s10  }
0x32: {  	s10 =	sld [smem:$0x3FB7];
	_ =	sdelay $0x3  }
0x33: {  	p0 =	seq.s32 s10, $0x1;
	s10 =	sld [smem:$0x3FB9];
	_ =	sdelay $0x3  }
0x34: {  	[smem:$0x3FB9] =	sst s10  }
0x35: {  	s10 =	sld [smem:$0x3FB8];
	_ =	sdelay $0x3  }
0x36: {  	p1 =	seq.s32 s10, $0x1;
	s10 =	sld [smem:$0x3FB9];
	_ =	sdelay $0x3  }
0x37: {  	[smem:$0x3FB9] =	sst s10  }
0x38: {  	s10 =	sld [smem:$0x3FBA]  }
0x39: {  	_ = 	snop;
	(pc) =	sbr.ind lr, $3  }
0x3a: {  	_ = 	snop  }
0x3b: {  	_ = 	snop  }
0x3c: {  	p2 =	seq.s32 s10, $0x1;
	s10 =	sld [smem:$0x3FB9]  }
0x3d: {  	_ =	shalt  }
0x3e: {  	_ =	shalt  }
0x3f: {  	_ =	shalt  }
0x40: {  	_ =	shalt  }
0x41: {  	_ =	shalt  }
0x42: {  	_ =	shalt  }
0x43: {  	_ =	shalt  }
0x44: {  	_ =	shalt  }
0x45: {  	_ =	shalt  }
0x46: {  	_ =	shalt  }
0x47: {  	_ =	shalt  }
0x48: {  	_ =	shalt  }
0x49: {  	_ =	shalt  }
0x4a: {  	_ =	shalt  }
0x4b: {  	_ =	shalt  }
0x4c: {  	_ =	shalt  }
0x4d: {  	_ =	shalt  }
0x4e: {  	_ =	shalt  }
0x4f: {  	_ =	shalt  }
0x50: {  	_ =	shalt  }
0x51: {  	_ =	shalt  }
0x52: {  	_ =	shalt  }
0x53: {  	_ =	shalt  }
0x54: {  	_ =	shalt  }
0x55: {  	_ =	shalt  }
0x56: {  	_ =	shalt  }
0x57: {  	_ =	shalt  }
0x58: {  	_ =	shalt  }
0x59: {  	_ =	shalt  }
0x5a: {  	_ =	shalt  }
0x5b: {  	_ =	shalt  }
0x5c: {  	_ =	shalt  }
0x5d: {  	_ =	shalt  }
0x5e: {  	_ =	shalt  }
0x5f: {  	_ =	shalt  }
0x60: {  	_ =	shalt  }
0x61: {  	_ =	shalt  }
0x62: {  	_ =	shalt  }
0x63: {  	_ =	shalt  }
0x64: {  	_ =	shalt  }
0x65: {  	_ =	shalt  }
0x66: {  	_ =	shalt  }
0x67: {  	_ =	shalt  }
0x68: {  	_ =	shalt  }
0x69: {  	_ =	shalt  }
0x6a: {  	_ =	shalt  }
0x6b: {  	_ =	shalt  }
0x6c: {  	_ =	shalt  }
0x6d: {  	_ =	shalt  }
0x6e: {  	_ =	shalt  }
0x6f: {  	_ =	shalt  }
0x70: {  	_ =	shalt  }
0x71: {  	_ =	shalt  }
0x72: {  	_ =	shalt  }
0x73: {  	_ =	shalt  }
0x74: {  	_ =	shalt  }
0x75: {  	_ =	shalt  }
0x76: {  	_ =	shalt  }
0x77: {  	_ =	shalt  }
0x78: {  	_ =	shalt  }
0x79: {  	_ =	shalt  }
0x7a: {  	_ =	shalt  }
0x7b: {  	_ =	shalt  }
0x7c: {  	_ =	shalt  }
0x7d: {  	_ =	shalt  }
0x7e: {  	_ =	shalt  }
0x7f: {  	_ =	shalt  }
0x80: {  	_ =	shalt  }
0x81: {  	_ =	shalt  }
0x82: {  	_ =	shalt  }
0x83: {  	_ =	shalt  }
0x84: {  	_ =	shalt  }
0x85: {  	_ =	shalt  }
0x86: {  	_ =	shalt  }
0x87: {  	_ =	shalt  }
.Lfunc_end0:
.L_simem_size_0:
called_computation_lowered:
.L_overlay_start_0:
0x88: {  	s2 =	sld [smem:$0x3FD9]  }
0x89: {  	s3 =	sld [smem:$0x3FFE];
	_ =	sdelay $0x1  }
0x8a: {  	s1 =	srdreg.scid  }
0x8b: {  	s0 =	sand.u32 $0x1, s1  }
0x8c: {  	s17 =	sshll.u32 s0, $0xA;
	s2 =	sadd.s32 s3, s2  }
0x8d: {  	s2 =	sadd.s32 s2, s17  }
0x8e: {  	[smem:$0x3FC5] =	sst s2  }
0x8f: {  	_ = 	snop  }
0x90: {  	s2 =	sld [smem:$0x3FC8]  }
0x91: {  	s18 =	sld [smem:$0x3FC7];
	(tm) =	ssettm $0x1  }
0x92: {  	s4 =	sld [smem:$0x3FFB];
	_ =	sdelay $0x3  }
0x93: {  	_ =	strace s4  }
0x94: {  	s4 =	sld [smem:$0x3FFC];
	_ =	sdelay $0x3  }
0x95: {  	_ =	strace s4  }
0x96: {  	s4 =	sld [smem:$0x3FFD];
	_ =	sdelay $0x3  }
0x97: {  	_ =	strace s4  }
0x98: {  	_ =	strace $0x8FFFFFFF  }
0x99: {  	s19 =	sld [smem:$0x3FDB];
	_ =	sdelay $0x1  }
0x9a: {  	s5 =	simm.s32 $_scs_section_size  }
0x9b: {  	s6 =	simm.s32 $_size__tile_overlayer_lowered;
	s7 =	simm.s32 $_tile_overlayer_lowered  }
0x9c: {  	s22 =	simm.s32 $0x1BFF;
	s21 =	sshll.u32 s7, $0x1;
	s4 =	sadd.s32 s5, s19  }
0x9d: {  	s8 =	simm.s32 $0x0;
	s20 =	sshll.u32 s6, $0x1;
	s6 =	sadd.s32 s21, s4  }
0x9e: {  	[timem:s8], [sflag:s22] =	dma.local [hbm:s6], s20  }
0x9f: {  	_ =	swait.ge [sflag:s22], s20  }
0xa0: {  	s5 =	ssub.s32 $0x0, s20;
	[sflag:s22] =	ssyncset.done $0x0  }
0xa1: {  	[sflag:s22] =	ssyncadd.s32 s5;
	_ =	sdelay $0x1  }
0xa2: {  	s23 =	simm.s32 $0x1B8B  }
0xa3: {  	_ =	swait.ge [sflag:s23], $0x1  }
0xa4: {  	[sflag:s23] =	ssyncset.done $0x0  }
0xa5: {  	s25 =	simm.s32 $0x1B8E;
	s24 =	sld [smem:$0x3FFE];
	[sflag:s23] =	ssyncadd.s32 $0xFFFFFFFF  }
0xa6: {  	s26 =	simm.s32 $execute0_lowered;
	[smem:$0x3FD2] =	sst s25  }
0xa7: {  	s6 =	sshll.u32 s26, $0x1;
	_ =	strace $0x80000046;
	[dreg:$0x1] =	wrdreg $0xFFFFFFFF  }
0xa8: {  	s28 =	simm.s32 $_size_execute0_lowered;
	s4 =	sadd.s32 s4, s6;
	[dreg:$0x0] =	wrdreg $0x0  }
0xa9: {  	s6 =	sshll.u32 s28, $0x1;
	[dreg:$0x2] =	wrdreg s4  }
0xaa: {  	[dreg:$0x3] =	wrdreg s6  }
0xab: {  	[dreg:$0x4] =	wrdreg $0xC0  }
0xac: {  	_ =	task [dreg:s8], $0x5FFFF  }
0xad: {  	[dreg:$0x1] =	wrdreg $0xFFFFFFFF  }
0xae: {  	[dreg:$0x0] =	wrdreg $0x60  }
0xaf: {  	[dreg:$0x2] =	wrdreg s2  }
0xb0: {  	[dreg:$0x3] =	wrdreg s18  }
0xb1: {  	[dreg:$0x4] =	wrdreg s24  }
0xb2: {  	[dreg:$0x5] =	wrdreg $0x60000  }
0xb3: {  	[dreg:$0x6] =	wrdreg $0x9  }
0xb4: {  	_ =	task.clear_ibuf [dreg:s8], $0x7FFFF;
	_ =	strace $0x90000046  }
0xb5: {  	s29 =	simm.s32 $0x9;
	_ =	strace $0x80000048  }
0xb6: {  	_ =	swait.ge [sflag:s29], $0x1  }
0xb7: {  	[sflag:s29] =	ssyncadd.s32 $0xFFFFFFFF  }
0xb8: {  	_ =	strace $0x90000048  }
0xb9: {  	_ =	sfence  }
0xba: {  	s30 =	sld [smem:$0x0];
	_ =	sdelay $0x2  }
0xbb: {  	s31 =	sshll.u32 s1, $0xD;
	s1 =	sshrl.u32 s1, $0x2  }
0xbc: {  	s3 =	sand.u32 $0x4000, s31;
	s1 =	sadd.s32 s1, s30  }
0xbd: {  	s0 =	sor.u32 s3, s0;
	s1 =	sshll.u32 s1, $0x11  }
0xbe: {  	s0 =	sor.u32 s1, s0  }
0xbf: {  	s0 =	sadd.s32 $0x8F2B, s0  }
0xc0: {  	[sflag:s0] =	ssyncadd.remote.s32 $0x1  }
0xc1: {  	_ =	sfence.sel $0xFFFF  }
0xc2: {  	[dreg:$0x0] =	wrdreg $0xFFFFFFFF;
	(pc) =	sbr.abs _section_cstart, $3  }
0xc3: {  	[dreg:$0x1] =	wrdreg $0xFFFFFFFF  }
0xc4: {  	_ =	task.clear_ibuf [dreg:s8], $0x2FFFF;
	_ =	strace $0x9FFFFFFF  }
0xc5: {  	(tm) =	ssettm $0x7FFFFFFF  }
tec
execute0_lowered:
.L_overlay_start_1:
0x0: {  	(tag) =	ssettag $0x1  }
0x1: {  	s0 =	rddreg [dreg:$0x0]  }
0x2: {  	s1 =	rddreg [dreg:$0x1]  }
0x3: {  	s4 =	rddreg [dreg:$0x2]  }
0x4: {  	s2 =	rddreg [dreg:$0x3];
	s3 =	srdreg.scid  }
0x5: {  	s9 =	stileid.u32;
	s13 =	simm.s32 $0x4000;
	s14 =	simm.s32 $0x4  }
0x6: {  	s15 =	simm.s32 $0x1;
	s16 =	simm.s32 $0x2;
	s17 =	simm.s32 $0x400  }
0x7: {  	s20 =	simm.s32 $0x4800;
	s21 =	simm.s32 $0xC00;
	s22 =	simm.s32 $0x4C00  }
0x8: {  	s23 =	simm.s32 $0x1000;
	s24 =	simm.s32 $0x5000;
	s28 =	simm.s32 $0x1800  }
0x9: {  	s29 =	simm.s32 $0x5800;
	s30 =	simm.s32 $0x1C00;
	s31 =	simm.s32 $0x5C00  }
0xa: {  	s5 =	sand.u32 $0x1, s3;
	s3 =	simm.s32 $0x0;
	s6 =	sshll.u32 s9, $0xF  }
0xb: {  	s9 =	sshll.u32 s9, $0xA;
	s7 =	sshll.u32 s5, $0x13;
	[smem:$0x7FF] =	sst s3  }
0xc: {  	s8 =	ssub.s32 $0x2, s5;
	s5 =	sshll.u32 s5, $0xE;
	s7 =	sor.u32 s6, s7  }
0xd: {  	_ =	strace $0x80000047;
	s25 =	sshrl.u32 s8, $0x1;
	s26 =	sor.u32 s9, s5  }
0xe: {  	s5 =	sadd.s32 s6, s2;
	s7 =	sshrl.u32 s7, $0x3;
	s11 =	ssub.s32 s8, s25  }
0xf: {  	s6 =	sadd.s32 s1, s26;
	s8 =	sadd.s32 $0x4000, s5;
	s9 =	sadd.s32 $0x6000, s5  }
0x10: {  	s25 =	simm.s32 $0x1400;
	s1 =	simm.s32 $0x0;
	s10 =	sadd.s32 s7, s4  }
0x11: {  	s4 =	sadd.s32 s0, s26;
	s7 =	sadd.s32 $0x2000, s5;
	s11 =	smax.u32 s11, $0x1  }
0x12: {  	v0 =	vimm.f32 $0.0e+00;
	v1 =	vimm.f32 $1.000000000e+00;
	s26 =	simm.s32 $0x5400;
	s0 =	simm.s32 $0x3;
	s10 =	sadd.s32 $0x800, s10  }
.LBB2_1:
0x13: {  	[tilespmem:s3], [sflag:$0x1] =	stream.linear.gather [hbm4b:s4+s3], $0x2000, $0x38;
	[tilespmem:$0xE000] =	vst v63  }
0x14: {  	s12 =	simm.s32 $0x2000  }
0x15: {  	[tilespmem:s12], [sflag:$0x2] =	stream.linear.gather [hbm4b:s6+s3], $0x2000, $0x38;
	[tilespmem:$0xE000] =	vst v63  }
0x16: {  	s18 =	simm.s32 $0x200;
	s12 =	simm.s32 $0x0  }
.LBB2_2:
0x17: {  	p0 =	sne.s32 s18, $0x7E00;
	[tilespmem:s12+$0x4070] =	vst v0  }
0x18: {  	[tilespmem:s12+$0x4000] =	vst v0  }
0x19: {  	[tilespmem:s12+$0x4010] =	vst v0  }
.Ltmp0:
0x1a: {  	[tilespmem:s12+$0x4020] =	vst v0;
	(pc) =	sbr.rel @p0 .LBB2_2-.Ltmp0, $4  }
0x1b: {  	[tilespmem:s12+$0x4030] =	vst v0  }
0x1c: {  	[tilespmem:s12+$0x4040] =	vst v0  }
0x1d: {  	[tilespmem:s12+$0x4050] =	vst v0  }
0x1e: {  	[tilespmem:s12+$0x4060] =	vst v0;
	s12 =	sshra.s32 s18, $0x2;
	s18 =	sadd.s32 $0x200, s18  }
0x1f: {  	[tilespmem:s12+$0x4070] =	vst v0  }
0x20: {  	[tilespmem:s12+$0x4000] =	vst v0  }
0x21: {  	[tilespmem:s12+$0x4010] =	vst v0  }
0x22: {  	[tilespmem:s12+$0x4020] =	vst v0  }
0x23: {  	[tilespmem:s12+$0x4030] =	vst v0  }
0x24: {  	[tilespmem:s12+$0x4040] =	vst v0  }
0x25: {  	[tilespmem:s12+$0x4050] =	vst v0  }
0x26: {  	[tilespmem:s12+$0x4060] =	vst v0  }
0x27: {  	[spmem:s5] =	stream.linear.scatter [tilespmem:s13], [sflag:$0x4], $0x2000, $0x38;
	[tilespmem:$0xE000] =	vst v63  }
0x28: {  	_ =	swait.ge [sflag:s14], $0x2000  }
0x29: {  	[sflag:s14] =	ssyncset.done $0x0  }
0x2a: {  	[sflag:s14] =	ssyncadd.s32 $0xFFFFE000  }
0x2b: {  	[spmem:s7] =	stream.linear.scatter [tilespmem:s13], [sflag:$0x4], $0x2000, $0x38;
	[tilespmem:$0xE000] =	vst v63  }
0x2c: {  	_ =	swait.ge [sflag:s14], $0x2000  }
0x2d: {  	[sflag:s14] =	ssyncset.done $0x0  }
0x2e: {  	[sflag:s14] =	ssyncadd.s32 $0xFFFFE000  }
0x2f: {  	[spmem:s8] =	stream.linear.scatter [tilespmem:s13], [sflag:$0x4], $0x2000, $0x38;
	[tilespmem:$0xE000] =	vst v63  }
0x30: {  	_ =	swait.ge [sflag:s14], $0x2000  }
0x31: {  	[sflag:s14] =	ssyncset.done $0x0  }
0x32: {  	[sflag:s14] =	ssyncadd.s32 $0xFFFFE000  }
0x33: {  	[spmem:s9] =	stream.linear.scatter [tilespmem:s13], [sflag:$0x4], $0x2000, $0x38;
	[tilespmem:$0xE000] =	vst v63  }
0x34: {  	_ =	swait.ge [sflag:s14], $0x2000  }
0x35: {  	[sflag:s14] =	ssyncset.done $0x0  }
0x36: {  	[sflag:s14] =	ssyncadd.s32 $0xFFFFE000  }
0x37: {  	_ =	swait.ge [sflag:s15], $0x2000  }
0x38: {  	[sflag:s15] =	ssyncset.done $0x0  }
0x39: {  	[sflag:s15] =	ssyncadd.s32 $0xFFFFE000  }
0x3a: {  	_ =	swait.ge [sflag:s16], $0x2000  }
0x3b: {  	[sflag:s16] =	ssyncset.done $0x0  }
0x3c: {  	s12 =	simm.s32 $0x0;
	[sflag:s16] =	ssyncadd.s32 $0xFFFFE000  }
0x3d: {  	v8 =	vld [tilespmem:s12+$0x2000]  }
0x3e: {  	v13 =	vld [tilespmem:s12+$0x2010]  }
0x3f: {  	v7 =	vld [tilespmem:s12+$0x2020]  }
0x40: {  	v6 =	vld [tilespmem:s12+$0x2030]  }
0x41: {  	v5 =	vld [tilespmem:s12+$0x2040]  }
0x42: {  	v4 =	vld [tilespmem:s12+$0x2050]  }
0x43: {  	v3 =	vld [tilespmem:s12+$0x2060]  }
0x44: {  	[tilespmem:s12+$0x4000] =	vst v1;
	v2 =	vld [tilespmem:s12+$0x2070]  }
0x45: {  	v14 =	vld [tilespmem:s12+$0x0];
	[tilespmem:s12+$0x4010] =	vst v1  }
0x46: {  	v12 =	vld [tilespmem:s12+$0x10];
	[tilespmem:s12+$0x4020] =	vst v1  }
0x47: {  	v11 =	vld [tilespmem:s12+$0x20];
	[tilespmem:s12+$0x4030] =	vst v1  }
0x48: {  	v10 =	vld [tilespmem:s12+$0x30];
	[tilespmem:s12+$0x4040] =	vst v1  }
0x49: {  	v9 =	vld [tilespmem:s12+$0x40];
	[tilespmem:s12+$0x4050] =	vst v1;
	v15 =	vshll.u32 v8, $0x7  }
0x4a: {  	s18 =	simm.s32 $0x200;
	[tilespmem:s12+$0x4060] =	vst v1;
	v8 =	vld [tilespmem:s12+$0x50];
	v13 =	vshll.u32 v13, $0x7;
	v14 =	vadd.s32 v15, v14  }
.LBB2_4:
0x4b: {  	p0 =	sne.s32 s18, $0x7E00;
	v14 =	vadd.s32 $0xFFFFFFFF, v14;
	v12 =	vadd.s32 v13, v12;
	v7 =	vshll.u32 v7, $0x7;
	v13 =	vld [tilespmem:s12+$0x60];
	[tilespmem:s12+$0x4070] =	vst v1  }
0x4c: {  	s19 =	sshra.s32 s18, $0x2;
	v6 =	vshll.u32 v6, $0x7;
	[tilespmem:s12+$0x0] =	vst v14;
	v12 =	vadd.s32 $0xFFFFFFFF, v12;
	v7 =	vadd.s32 v7, v11;
	v11 =	vld [tilespmem:s12+$0x70]  }
0x4d: {  	v5 =	vshll.u32 v5, $0x7;
	v14 =	vld [tilespmem:s19+$0x2000];
	[tilespmem:s12+$0x10] =	vst v12;
	v7 =	vadd.s32 $0xFFFFFFFF, v7;
	v6 =	vadd.s32 v6, v10  }
0x4e: {  	v4 =	vshll.u32 v4, $0x7;
	v15 =	vld [tilespmem:s19+$0x2010];
	[tilespmem:s12+$0x20] =	vst v7;
	v6 =	vadd.s32 $0xFFFFFFFF, v6;
	v5 =	vadd.s32 v5, v9  }
0x4f: {  	v3 =	vshll.u32 v3, $0x7;
	v7 =	vld [tilespmem:s19+$0x2020];
	[tilespmem:s12+$0x30] =	vst v6;
	v5 =	vadd.s32 $0xFFFFFFFF, v5;
	v4 =	vadd.s32 v4, v8  }
0x50: {  	v2 =	vshll.u32 v2, $0x7;
	v6 =	vld [tilespmem:s19+$0x2030];
	[tilespmem:s12+$0x40] =	vst v5;
	v4 =	vadd.s32 $0xFFFFFFFF, v4;
	v3 =	vadd.s32 v3, v13  }
0x51: {  	v5 =	vld [tilespmem:s19+$0x2040];
	[tilespmem:s12+$0x50] =	vst v4;
	v3 =	vadd.s32 $0xFFFFFFFF, v3;
	v2 =	vadd.s32 v2, v11  }
0x52: {  	v4 =	vld [tilespmem:s19+$0x2050];
	[tilespmem:s12+$0x60] =	vst v3;
	v2 =	vadd.s32 $0xFFFFFFFF, v2  }
0x53: {  	v3 =	vld [tilespmem:s19+$0x2060];
	[tilespmem:s12+$0x70] =	vst v2;
	s12 =	smov.u32 s19  }
0x54: {  	[tilespmem:s12+$0x4000] =	vst v1;
	v2 =	vld [tilespmem:s12+$0x2070]  }
0x55: {  	v8 =	vld [tilespmem:s12+$0x0];
	[tilespmem:s12+$0x4010] =	vst v1  }
.Ltmp1:
0x56: {  	v12 =	vld [tilespmem:s12+$0x10];
	[tilespmem:s12+$0x4020] =	vst v1;
	(pc) =	sbr.rel @p0 .LBB2_4-.Ltmp1, $4  }
0x57: {  	v11 =	vld [tilespmem:s12+$0x20];
	[tilespmem:s12+$0x4030] =	vst v1  }
0x58: {  	v10 =	vld [tilespmem:s12+$0x30];
	[tilespmem:s12+$0x4040] =	vst v1  }
0x59: {  	v13 =	vshll.u32 v14, $0x7;
	v9 =	vld [tilespmem:s12+$0x40];
	[tilespmem:s12+$0x4050] =	vst v1  }
0x5a: {  	s18 =	sadd.s32 $0x200, s18;
	v14 =	vadd.s32 v13, v8;
	v13 =	vshll.u32 v15, $0x7;
	v8 =	vld [tilespmem:s12+$0x50];
	[tilespmem:s12+$0x4060] =	vst v1  }
0x5b: {  	v15 =	vld [tilespmem:s12+$0x60];
	v14 =	vadd.s32 $0xFFFFFFFF, v14;
	[tilespmem:s12+$0x4070] =	vst v1;
	v12 =	vadd.s32 v13, v12;
	v7 =	vshll.u32 v7, $0x7  }
0x5c: {  	v6 =	vshll.u32 v6, $0x7;
	v63 =	vld [tilespmem:s12+$0x70];
	[tilespmem:s12+$0x0] =	vst v14;
	v12 =	vadd.s32 $0xFFFFFFFF, v12;
	v7 =	vadd.s32 v7, v11  }
0x5d: {  	v5 =	vshll.u32 v5, $0x7;
	[tilespmem:s12+$0x10] =	vst v12;
	v7 =	vadd.s32 $0xFFFFFFFF, v7;
	v6 =	vadd.s32 v6, v10  }
0x5e: {  	v4 =	vshll.u32 v4, $0x7;
	[tilespmem:s12+$0x20] =	vst v7;
	v6 =	vadd.s32 $0xFFFFFFFF, v6;
	v5 =	vadd.s32 v5, v9  }
0x5f: {  	v3 =	vshll.u32 v3, $0x7;
	[tilespmem:s12+$0x30] =	vst v6;
	v5 =	vadd.s32 $0xFFFFFFFF, v5;
	v4 =	vadd.s32 v4, v8  }
0x60: {  	v2 =	vshll.u32 v2, $0x7;
	[tilespmem:s12+$0x40] =	vst v5;
	v4 =	vadd.s32 $0xFFFFFFFF, v4;
	v3 =	vadd.s32 v3, v15  }
0x61: {  	v2 =	vadd.s32 v2, v63;
	[tilespmem:s12+$0x50] =	vst v4;
	v3 =	vadd.s32 $0xFFFFFFFF, v3  }
0x62: {  	v2 =	vadd.s32 $0xFFFFFFFF, v2;
	[tilespmem:s12+$0x60] =	vst v3  }
0x63: {  	[tilespmem:s12+$0x70] =	vst v2  }
0x64: {  	[bflag:$0x0] =	sbarrier.arrive $0xFFFF  }
0x65: {  	[spmem:s2] =	stream.indirect.scatter.add.f32 [tilespmem:s13], [sflag:$0x3], $0x1, s3, s17, $0xb8;
	[tilespmem:$0xE000] =	vst v63  }
0x66: {  	s19 =	simm.s32 $0x4400  }
0x67: {  	[spmem:s2] =	stream.indirect.scatter.add.f32 [tilespmem:s19], [sflag:$0x3], $0x1, s17, s17, $0xb8;
	[tilespmem:$0xE000] =	vst v63  }
0x68: {  	s18 =	simm.s32 $0x800  }
0x69: {  	[spmem:s2] =	stream.indirect.scatter.add.f32 [tilespmem:s20], [sflag:$0x3], $0x1, s18, s17, $0xb8;
	[tilespmem:$0xE000] =	vst v63  }
0x6a: {  	_ = 	snop  }
0x6b: {  	[spmem:s2] =	stream.indirect.scatter.add.f32 [tilespmem:s22], [sflag:$0x3], $0x1, s21, s17, $0xb8;
	[tilespmem:$0xE000] =	vst v63  }
0x6c: {  	_ = 	snop  }
0x6d: {  	[spmem:s2] =	stream.indirect.scatter.add.f32 [tilespmem:s24], [sflag:$0x3], $0x1, s23, s17, $0xb8;
	[tilespmem:$0xE000] =	vst v63  }
0x6e: {  	_ = 	snop  }
0x6f: {  	[spmem:s2] =	stream.indirect.scatter.add.f32 [tilespmem:s26], [sflag:$0x3], $0x1, s25, s17, $0xb8;
	[tilespmem:$0xE000] =	vst v63  }
0x70: {  	_ = 	snop  }
0x71: {  	[spmem:s2] =	stream.indirect.scatter.add.f32 [tilespmem:s29], [sflag:$0x3], $0x1, s28, s17, $0xb8;
	[tilespmem:$0xE000] =	vst v63  }
0x72: {  	_ = 	snop  }
0x73: {  	[spmem:s2] =	stream.indirect.scatter.add.f32 [tilespmem:s31], [sflag:$0x3], $0x1, s30, s17, $0xb8;
	[tilespmem:$0xE000] =	vst v63  }
0x74: {  	_ =	swait.ge [sflag:s0], $0x400  }
0x75: {  	[sflag:s0] =	ssyncset.done $0x0  }
0x76: {  	[sflag:s0] =	ssyncadd.s32 $0xFFFFFC00  }
0x77: {  	_ =	swait.ge [sflag:s0], $0x400  }
0x78: {  	[sflag:s0] =	ssyncset.done $0x0  }
0x79: {  	[sflag:s0] =	ssyncadd.s32 $0xFFFFFC00  }
0x7a: {  	_ =	swait.ge [sflag:s0], $0x400  }
0x7b: {  	[sflag:s0] =	ssyncset.done $0x0  }
0x7c: {  	[sflag:s0] =	ssyncadd.s32 $0xFFFFFC00  }
0x7d: {  	_ =	swait.ge [sflag:s0], $0x400  }
0x7e: {  	[sflag:s0] =	ssyncset.done $0x0  }
0x7f: {  	[sflag:s0] =	ssyncadd.s32 $0xFFFFFC00  }
0x80: {  	_ =	swait.ge [sflag:s0], $0x400  }
0x81: {  	[sflag:s0] =	ssyncset.done $0x0  }
0x82: {  	[sflag:s0] =	ssyncadd.s32 $0xFFFFFC00  }
0x83: {  	_ =	swait.ge [sflag:s0], $0x400  }
0x84: {  	[sflag:s0] =	ssyncset.done $0x0  }
0x85: {  	[sflag:s0] =	ssyncadd.s32 $0xFFFFFC00  }
0x86: {  	_ =	swait.ge [sflag:s0], $0x400  }
0x87: {  	[sflag:s0] =	ssyncset.done $0x0  }
0x88: {  	[sflag:s0] =	ssyncadd.s32 $0xFFFFFC00  }
0x89: {  	s19 =	stileid.u32;
	_ =	swait.ge [sflag:s0], $0x400  }
0x8a: {  	s1 =	sadd.s32 $0x1, s1;
	s12 =	sshll.u32 s19, $0x6;
	[sflag:s0] =	ssyncset.done $0x0  }
0x8b: {  	p0 =	sne.s32 s1, s11;
	s12 =	sor.u32 $0x1C04, s12;
	[sflag:s0] =	ssyncadd.s32 $0xFFFFFC00  }
.Ltmp2:
0x8c: {  	s18 =	sshrl.u32 s5, $0x3;
	[bflag:$0x0] =	sbarrier.arrive $0xFFFF;
	(pc) =	sbr.rel @p0 .LBB2_1-.Ltmp2, $4  }
0x8d: {  	[hbm:s10], [sflag:s12] =	dma.local [spmem:s18], $0x1000  }
0x8e: {  	_ =	swait.ge [sflag:s14], $0x1000  }
0x8f: {  	[sflag:s14] =	ssyncset.done $0x0  }
0x90: {  	[sflag:s14] =	ssyncadd.s32 $0xFFFFF000  }
0x91: {  	_ =	sfence.sel $0x180000  }
0x92: {  	[bflag:$0x0] =	sbarrier.arrive $0xFFFF  }
0x93: {  	_ =	strace $0x90000047  }
0x94: {  	s0 =	stileid.u32;
	[bflag:$0x2] =	sbarrier.arrive $0xFFFF  }
0x95: {  	p0 =	sne.s32 s0, $0x0;
	s0 =	rddreg [dreg:$0x4]  }
0x96: {  	s0 =	sadd.s32 @!p0 $0x100000, s0  }
0x97: {  	[sflag:s0] =	ssyncadd.tile.s32 @!p0 $0x1;
	_ =	shalt  }
.Lfunc_end2:
_tile_overlayer_lowered:
.L_overlay_start_2:
0x98: {  	(tag) =	ssettag $0x2  }
0x99: {  	s0 =	rddreg [dreg:$0x0];
	s2 =	stileid.u32  }
0x9a: {  	s1 =	rddreg [dreg:$0x1];
	p0 =	sne.s32 s2, $0x0  }
0x9b: {  	s3 =	rddreg [dreg:$0x2];
	[bflag:$0x3] =	sbarrier.arrive $0xFFFF;
	s2 =	simm.s32 @!p0 $0x1C04  }
0x9c: {  	[timem:s3], [sflag:s2] =	dma.local @!p0 [hbm:s0], s1  }
0x9d: {  	s0 =	simm.s32 @!p0 $0x4  }
0x9e: {  	_ =	swait.ge @!p0 [sflag:s0], s1  }
0x9f: {  	s1 =	ssub.s32 @!p0 $0x0, s1;
	[sflag:s0] =	ssyncset.done @!p0 $0x0  }
0xa0: {  	[sflag:s0] =	ssyncadd.s32 @!p0 s1  }
0xa1: {  	[bflag:$0x3] =	sbarrier.arrive $0xFFFF  }
0xa2: {  	_ =	shalt  }

</sc_bundles>
